<compile_context>
chip_gen: v7x
topology: tpu7x:2x2x1
jax: 0.10.2.dev20260603
libtpu: 0.0.44.dev20260713+nightly
codegen_flags: <defaults>
</compile_context>

<pallas_src>
import functools

import jax
import jax.numpy as jnp
from jax import lax
from jax.experimental import pallas as pl
from jax.experimental.pallas import tpu as pltpu
from jax.experimental.pallas import tpu_sc as plsc

NUM_CONTEXTS = 1000000
EMB_DIM = 32
BATCH = 16384

_info = plsc.get_sparse_core_info()
_NC, _NS = _info.num_cores, _info.num_subcores
_NW = _NC * _NS
_BPW = BATCH // _NW
_LANES = 16
_G = 8
_NPAIR = _BPW // (2 * _G)

_mesh = plsc.VectorSubcoreMesh(core_axis_name="c", subcore_axis_name="s")


@functools.partial(
    pl.kernel,
    mesh=_mesh,
    compiler_params=pltpu.CompilerParams(needs_layout_passes=False),
    out_type=jax.ShapeDtypeStruct((EMB_DIM, BATCH), jnp.float32),
    scratch_types=[
        pltpu.VMEM((_BPW,), jnp.int32),
        pltpu.VMEM((2 * _G, EMB_DIM, 128), jnp.float32),
        pltpu.VMEM((EMB_DIM, _BPW), jnp.float32),
        pltpu.SemaphoreType.DMA,
        pltpu.SemaphoreType.DMA,
    ],
)
def _gather_kernel(idx_hbm, table_t_hbm, out_t_hbm, idx_v, blk_v, cols_v,
                   sem_a, sem_b):
    wid = lax.axis_index("s") * _NC + lax.axis_index("c")
    base = wid * _BPW
    pltpu.sync_copy(idx_hbm.at[wid], idx_v)

    j_lo = lax.broadcasted_iota(jnp.int32, (_LANES,), 0)
    j_hi = j_lo + _LANES

    def _fire(c_scalar, slot, sem):
        col = pl.multiple_of(c_scalar * 128, 128)
        pltpu.make_async_copy(
            table_t_hbm.at[:, pl.ds(col, 128)],
            blk_v.at[slot],
            sem,
        ).start()

    def _drain(slot, sem):
        pltpu.make_async_copy(
            table_t_hbm.at[:, pl.ds(0, 128)],
            blk_v.at[slot],
            sem,
        ).wait()

    def _extract(slot, m_scalar, pos):
        mvec = jnp.full((_LANES,), m_scalar, dtype=jnp.int32)
        svec = jnp.full((_LANES,), slot, dtype=jnp.int32)
        pvec = jnp.full((_LANES,), pos, dtype=jnp.int32)
        lo = plsc.load_gather(blk_v, [svec, j_lo, mvec])
        hi = plsc.load_gather(blk_v, [svec, j_hi, mvec])
        plsc.store_scatter(cols_v, [j_lo, pvec], lo)
        plsc.store_scatter(cols_v, [j_hi, pvec], hi)

    v0 = idx_v[pl.ds(0, _LANES)]
    c0 = v0 >> 7
    for k in range(_G):
        _fire(c0[k], k, sem_a)

    @pl.loop(0, _NPAIR)
    def _body(t):
        vec = idx_v[pl.ds(t * 2 * _G, _LANES)]
        cvec = vec >> 7
        mvec = vec & 127
        for k in range(_G):
            _fire(cvec[_G + k], _G + k, sem_b)
        for k in range(_G):
            _drain(k, sem_a)
        for k in range(_G):
            _extract(k, mvec[k], t * 2 * _G + k)
        @pl.when(t < _NPAIR - 1)
        def _():
            vnext = idx_v[pl.ds((t + 1) * 2 * _G, _LANES)]
            cnext = vnext >> 7
            for k in range(_G):
                _fire(cnext[k], k, sem_a)
        for k in range(_G):
            _drain(_G + k, sem_b)
        for k in range(_G):
            _extract(_G + k, mvec[_G + k], t * 2 * _G + _G + k)

    pltpu.sync_copy(cols_v, out_t_hbm.at[:, pl.ds(base, _BPW)])


def kernel(context_ids, table):
    idx = context_ids.astype(jnp.int32).reshape(_NW, _BPW)
    table_t = jnp.transpose(table)
    out_t = _gather_kernel(idx, table_t)
    return jnp.transpose(out_t)

# --- scband reference (transcript-rebuilt; emitter-appended) ---
"""Pipeline reference for scband-context-embedding-67353677136001 (READ-ONLY COPY).

The authoritative reference and input builder live on the scoring server;
editing this copy changes nothing except your own understanding.
"""

import jax, jax.numpy as jnp
import numpy as np

NUM_CONTEXTS = 1000000
EMB_DIM = 32
BATCH = 16384

def setup_inputs(seed: int = 0) -> dict:
    key = jax.random.key(seed)
    k_idx, k_tab = jax.random.split(key)
    context_ids = jax.random.randint(k_idx, (BATCH,), 0, NUM_CONTEXTS, dtype=jnp.int64) if jax.config.jax_enable_x64 else jax.random.randint(k_idx, (BATCH,), 0, NUM_CONTEXTS, dtype=jnp.int32)
    table = jax.random.normal(k_tab, (NUM_CONTEXTS, EMB_DIM), dtype=jnp.float32) * 0.05
    return {"context_ids": context_ids, "table": table}

def reference(context_ids, table):
    # Embedding lookup: gather rows of the table
    return jnp.take(table, context_ids, axis=0)

if __name__ == "__main__":
    import jax
    _d = setup_inputs()
    print(jax.jit(kernel)(*tuple(_d.values())))

</pallas_src>

<mosaic_0001>
#map = affine_map<(d0, d1) -> (0, 0)>
module attributes {stable_mosaic.version = 14 : i64} {
  func.func @_gather_kernel(%arg0: i32, %arg1: i32, %arg2: memref<32x512xi32, #tpu.memory_space<hbm>>, %arg3: memref<32x1000000xf32, #tpu.memory_space<hbm>>, %arg4: memref<32x16384xf32, #tpu.memory_space<hbm>>, %arg5: memref<512xi32, #tpu.memory_space<vmem>>, %arg6: memref<16x32x128xf32, #tpu.memory_space<vmem>>, %arg7: memref<32x512xf32, #tpu.memory_space<vmem>>, %arg8: memref<!tpu.dma_semaphore, #tpu.memory_space<semaphore_mem>>, %arg9: memref<!tpu.dma_semaphore, #tpu.memory_space<semaphore_mem>>) attributes {dimension_semantics = [#tpu.dimension_semantics<core_parallel>, #tpu.dimension_semantics<subcore_parallel>], iteration_bounds = array<i64: 2, 16>, scalar_prefetch = 0 : i64, scratch_operands = 5 : i64, tpu.core_type = #tpu.core_type<sc_vector_subcore>, window_params = [{transform_indices = #map}, {transform_indices = #map}, {transform_indices = #map}]} {
    %mul3A = arith.constant 2 : i32
    %mul3A_0 = arith.muli %arg1, %mul3A : i32
    %add3A = arith.addi %mul3A_0, %arg0 : i32
    %mul3A_1 = arith.constant 512 : i32
    %mul3A_2 = arith.muli %add3A, %mul3A_1 : i32
    "tpu.region"() ({
      %run_scoped3A = tpu.sem_alloc : memref<!tpu.dma_semaphore, #tpu.memory_space<semaphore_mem>>
      %dma_start3A_153 = arith.constant 0 : i32
      %dma_start3A_154 = tpu.memref_slice %arg2[%add3A, %dma_start3A_153] : memref<32x512xi32, #tpu.memory_space<hbm>> -> memref<1x512xi32, #tpu.memory_space<hbm>>
      %dma_start3A_155 = tpu.memref_squeeze %dma_start3A_154 : memref<1x512xi32, #tpu.memory_space<hbm>> -> memref<512xi32, #tpu.memory_space<hbm>>
      %dma_start3A_156 = arith.constant 0 : i32
      %dma_start3A_157 = tpu.memref_slice %arg2[%add3A, %dma_start3A_156] : memref<32x512xi32, #tpu.memory_space<hbm>> -> memref<1x512xi32, #tpu.memory_space<hbm>>
      %dma_start3A_158 = tpu.memref_squeeze %dma_start3A_157 : memref<1x512xi32, #tpu.memory_space<hbm>> -> memref<512xi32, #tpu.memory_space<hbm>>
      tpu.enqueue_dma source(%dma_start3A_158 : memref<512xi32, #tpu.memory_space<hbm>>) target(%arg5 : memref<512xi32, #tpu.memory_space<vmem>>) target_semaphore(%run_scoped3A : memref<!tpu.dma_semaphore, #tpu.memory_space<semaphore_mem>>)
      %dma_wait3A = arith.constant 0 : i32
      %dma_wait3A_159 = tpu.memref_slice %arg2[%add3A, %dma_wait3A] : memref<32x512xi32, #tpu.memory_space<hbm>> -> memref<1x512xi32, #tpu.memory_space<hbm>>
      %dma_wait3A_160 = tpu.memref_squeeze %dma_wait3A_159 : memref<1x512xi32, #tpu.memory_space<hbm>> -> memref<512xi32, #tpu.memory_space<hbm>>
      %dma_wait3A_161 = arith.constant 0 : i32
      %dma_wait3A_162 = tpu.memref_slice %arg2[%add3A, %dma_wait3A_161] : memref<32x512xi32, #tpu.memory_space<hbm>> -> memref<1x512xi32, #tpu.memory_space<hbm>>
      %dma_wait3A_163 = tpu.memref_squeeze %dma_wait3A_162 : memref<1x512xi32, #tpu.memory_space<hbm>> -> memref<512xi32, #tpu.memory_space<hbm>>
      tpu.wait_dma2 semaphore(%run_scoped3A : memref<!tpu.dma_semaphore, #tpu.memory_space<semaphore_mem>>) src(%dma_wait3A_163 : memref<512xi32, #tpu.memory_space<hbm>>) dst(%arg5 : memref<512xi32, #tpu.memory_space<vmem>>)
      tpu.yield
    }) : () -> ()
    %iota3A = tpu.iota {dimensions = array<i32: 0>} : vector<16xi32>
    %add3A_3 = arith.constant 16 : i32
    %add3A_4 = vector.broadcast %add3A_3 : i32 to vector<16xi32>
    %add3A_5 = arith.addi %iota3A, %add3A_4 : vector<16xi32>
    %get3A = arith.constant 0 : index
    %get3A_6 = tpu.vector_load %arg5[%get3A] {strides = array<i32>} : memref<512xi32, #tpu.memory_space<vmem>>, vector<16xi32>,
    %shift_right_arithmetic3A = arith.constant 7 : i32
    %shift_right_arithmetic3A_7 = vector.broadcast %shift_right_arithmetic3A : i32 to vector<16xi32>
    %shift_right_arithmetic3A_8 = arith.shrsi %get3A_6, %shift_right_arithmetic3A_7 : vector<16xi32>
    %slice3A = vector.extract_strided_slice %shift_right_arithmetic3A_8 {offsets = [0], sizes = [1], strides = [1]} : vector<16xi32> to vector<1xi32>
    %squeeze3A = vector.extract %slice3A[0] : i32 from vector<1xi32>
    %mul3A_9 = arith.constant 128 : i32
    %mul3A_10 = arith.muli %squeeze3A, %mul3A_9 : i32
    %multiple_of3A = tpu.assume_multiple %mul3A_10, 128 : i32
    %dma_start3A = arith.constant 0 : i32
    %dma_start3A_11 = arith.constant 0 : i32
    %dma_start3A_12 = arith.constant 0 : i32
    %dma_start3A_13 = tpu.memref_slice %arg6[%dma_start3A, %dma_start3A_11, %dma_start3A_12] : memref<16x32x128xf32, #tpu.memory_space<vmem>> -> memref<1x32x128xf32, #tpu.memory_space<vmem>>
    %dma_start3A_14 = tpu.memref_squeeze %dma_start3A_13 : memref<1x32x128xf32, #tpu.memory_space<vmem>> -> memref<32x128xf32, #tpu.memory_space<vmem>>
    %dma_start3A_15 = arith.constant 0 : i32
    %dma_start3A_16 = tpu.memref_slice %arg3[%dma_start3A_15, %multiple_of3A] : memref<32x1000000xf32, #tpu.memory_space<hbm>> -> memref<32x128xf32, #tpu.memory_space<hbm>>
    %dma_start3A_17 = arith.constant 0 : i32
    %dma_start3A_18 = arith.constant 0 : i32
    %dma_start3A_19 = tpu.memref_slice %arg6[%dma_start3A, %dma_start3A_17, %dma_start3A_18] : memref<16x32x128xf32, #tpu.memory_space<vmem>> -> memref<1x32x128xf32, #tpu.memory_space<vmem>>
    %dma_start3A_20 = tpu.memref_squeeze %dma_start3A_19 : memref<1x32x128xf32, #tpu.memory_space<vmem>> -> memref<32x128xf32, #tpu.memory_space<vmem>>
    %dma_start3A_21 = arith.constant 0 : i32
    %dma_start3A_22 = tpu.memref_slice %arg3[%dma_start3A_21, %multiple_of3A] : memref<32x1000000xf32, #tpu.memory_space<hbm>> -> memref<32x128xf32, #tpu.memory_space<hbm>>
    tpu.enqueue_dma source(%dma_start3A_22 : memref<32x128xf32, #tpu.memory_space<hbm>>) target(%dma_start3A_20 : memref<32x128xf32, #tpu.memory_space<vmem>>) target_semaphore(%arg8 : memref<!tpu.dma_semaphore, #tpu.memory_space<semaphore_mem>>)
    %slice3A_23 = vector.extract_strided_slice %shift_right_arithmetic3A_8 {offsets = [1], sizes = [1], strides = [1]} : vector<16xi32> to vector<1xi32>
    %squeeze3A_24 = vector.extract %slice3A_23[0] : i32 from vector<1xi32>
    %mul3A_25 = arith.constant 128 : i32
    %mul3A_26 = arith.muli %squeeze3A_24, %mul3A_25 : i32
    %multiple_of3A_27 = tpu.assume_multiple %mul3A_26, 128 : i32
    %dma_start3A_28 = arith.constant 1 : i32
    %dma_start3A_29 = arith.constant 0 : i32
    %dma_start3A_30 = arith.constant 0 : i32
    %dma_start3A_31 = tpu.memref_slice %arg6[%dma_start3A_28, %dma_start3A_29, %dma_start3A_30] : memref<16x32x128xf32, #tpu.memory_space<vmem>> -> memref<1x32x128xf32, #tpu.memory_space<vmem>>
    %dma_start3A_32 = tpu.memref_squeeze %dma_start3A_31 : memref<1x32x128xf32, #tpu.memory_space<vmem>> -> memref<32x128xf32, #tpu.memory_space<vmem>>
    %dma_start3A_33 = arith.constant 0 : i32
    %dma_start3A_34 = tpu.memref_slice %arg3[%dma_start3A_33, %multiple_of3A_27] : memref<32x1000000xf32, #tpu.memory_space<hbm>> -> memref<32x128xf32, #tpu.memory_space<hbm>>
    %dma_start3A_35 = arith.constant 0 : i32
    %dma_start3A_36 = arith.constant 0 : i32
    %dma_start3A_37 = tpu.memref_slice %arg6[%dma_start3A_28, %dma_start3A_35, %dma_start3A_36] : memref<16x32x128xf32, #tpu.memory_space<vmem>> -> memref<1x32x128xf32, #tpu.memory_space<vmem>>
    %dma_start3A_38 = tpu.memref_squeeze %dma_start3A_37 : memref<1x32x128xf32, #tpu.memory_space<vmem>> -> memref<32x128xf32, #tpu.memory_space<vmem>>
    %dma_start3A_39 = arith.constant 0 : i32
    %dma_start3A_40 = tpu.memref_slice %arg3[%dma_start3A_39, %multiple_of3A_27] : memref<32x1000000xf32, #tpu.memory_space<hbm>> -> memref<32x128xf32, #tpu.memory_space<hbm>>
    tpu.enqueue_dma source(%dma_start3A_40 : memref<32x128xf32, #tpu.memory_space<hbm>>) target(%dma_start3A_38 : memref<32x128xf32, #tpu.memory_space<vmem>>) target_semaphore(%arg8 : memref<!tpu.dma_semaphore, #tpu.memory_space<semaphore_mem>>)
    %slice3A_41 = vector.extract_strided_slice %shift_right_arithmetic3A_8 {offsets = [2], sizes = [1], strides = [1]} : vector<16xi32> to vector<1xi32>
    %squeeze3A_42 = vector.extract %slice3A_41[0] : i32 from vector<1xi32>
    %mul3A_43 = arith.constant 128 : i32
    %mul3A_44 = arith.muli %squeeze3A_42, %mul3A_43 : i32
    %multiple_of3A_45 = tpu.assume_multiple %mul3A_44, 128 : i32
    %dma_start3A_46 = arith.constant 2 : i32
    %dma_start3A_47 = arith.constant 0 : i32
    %dma_start3A_48 = arith.constant 0 : i32
    %dma_start3A_49 = tpu.memref_slice %arg6[%dma_start3A_46, %dma_start3A_47, %dma_start3A_48] : memref<16x32x128xf32, #tpu.memory_space<vmem>> -> memref<1x32x128xf32, #tpu.memory_space<vmem>>
    %dma_start3A_50 = tpu.memref_squeeze %dma_start3A_49 : memref<1x32x128xf32, #tpu.memory_space<vmem>> -> memref<32x128xf32, #tpu.memory_space<vmem>>
    %dma_start3A_51 = arith.constant 0 : i32
    %dma_start3A_52 = tpu.memref_slice %arg3[%dma_start3A_51, %multiple_of3A_45] : memref<32x1000000xf32, #tpu.memory_space<hbm>> -> memref<32x128xf32, #tpu.memory_space<hbm>>
    %dma_start3A_53 = arith.constant 0 : i32
    %dma_start3A_54 = arith.constant 0 : i32
    %dma_start3A_55 = tpu.memref_slice %arg6[%dma_start3A_46, %dma_start3A_53, %dma_start3A_54] : memref<16x32x128xf32, #tpu.memory_space<vmem>> -> memref<1x32x128xf32, #tpu.memory_space<vmem>>
    %dma_start3A_56 = tpu.memref_squeeze %dma_start3A_55 : memref<1x32x128xf32, #tpu.memory_space<vmem>> -> memref<32x128xf32, #tpu.memory_space<vmem>>
    %dma_start3A_57 = arith.constant 0 : i32
    %dma_start3A_58 = tpu.memref_slice %arg3[%dma_start3A_57, %multiple_of3A_45] : memref<32x1000000xf32, #tpu.memory_space<hbm>> -> memref<32x128xf32, #tpu.memory_space<hbm>>
    tpu.enqueue_dma source(%dma_start3A_58 : memref<32x128xf32, #tpu.memory_space<hbm>>) target(%dma_start3A_56 : memref<32x128xf32, #tpu.memory_space<vmem>>) target_semaphore(%arg8 : memref<!tpu.dma_semaphore, #tpu.memory_space<semaphore_mem>>)
    %slice3A_59 = vector.extract_strided_slice %shift_right_arithmetic3A_8 {offsets = [3], sizes = [1], strides = [1]} : vector<16xi32> to vector<1xi32>
    %squeeze3A_60 = vector.extract %slice3A_59[0] : i32 from vector<1xi32>
    %mul3A_61 = arith.constant 128 : i32
    %mul3A_62 = arith.muli %squeeze3A_60, %mul3A_61 : i32
    %multiple_of3A_63 = tpu.assume_multiple %mul3A_62, 128 : i32
    %dma_start3A_64 = arith.constant 3 : i32
    %dma_start3A_65 = arith.constant 0 : i32
    %dma_start3A_66 = arith.constant 0 : i32
    %dma_start3A_67 = tpu.memref_slice %arg6[%dma_start3A_64, %dma_start3A_65, %dma_start3A_66] : memref<16x32x128xf32, #tpu.memory_space<vmem>> -> memref<1x32x128xf32, #tpu.memory_space<vmem>>
    %dma_start3A_68 = tpu.memref_squeeze %dma_start3A_67 : memref<1x32x128xf32, #tpu.memory_space<vmem>> -> memref<32x128xf32, #tpu.memory_space<vmem>>
    %dma_start3A_69 = arith.constant 0 : i32
    %dma_start3A_70 = tpu.memref_slice %arg3[%dma_start3A_69, %multiple_of3A_63] : memref<32x1000000xf32, #tpu.memory_space<hbm>> -> memref<32x128xf32, #tpu.memory_space<hbm>>
    %dma_start3A_71 = arith.constant 0 : i32
    %dma_start3A_72 = arith.constant 0 : i32
    %dma_start3A_73 = tpu.memref_slice %arg6[%dma_start3A_64, %dma_start3A_71, %dma_start3A_72] : memref<16x32x128xf32, #tpu.memory_space<vmem>> -> memref<1x32x128xf32, #tpu.memory_space<vmem>>
    %dma_start3A_74 = tpu.memref_squeeze %dma_start3A_73 : memref<1x32x128xf32, #tpu.memory_space<vmem>> -> memref<32x128xf32, #tpu.memory_space<vmem>>
    %dma_start3A_75 = arith.constant 0 : i32
    %dma_start3A_76 = tpu.memref_slice %arg3[%dma_start3A_75, %multiple_of3A_63] : memref<32x1000000xf32, #tpu.memory_space<hbm>> -> memref<32x128xf32, #tpu.memory_space<hbm>>
    tpu.enqueue_dma source(%dma_start3A_76 : memref<32x128xf32, #tpu.memory_space<hbm>>) target(%dma_start3A_74 : memref<32x128xf32, #tpu.memory_space<vmem>>) target_semaphore(%arg8 : memref<!tpu.dma_semaphore, #tpu.memory_space<semaphore_mem>>)
    %slice3A_77 = vector.extract_strided_slice %shift_right_arithmetic3A_8 {offsets = [4], sizes = [1], strides = [1]} : vector<16xi32> to vector<1xi32>
    %squeeze3A_78 = vector.extract %slice3A_77[0] : i32 from vector<1xi32>
    %mul3A_79 = arith.constant 128 : i32
    %mul3A_80 = arith.muli %squeeze3A_78, %mul3A_79 : i32
    %multiple_of3A_81 = tpu.assume_multiple %mul3A_80, 128 : i32
    %dma_start3A_82 = arith.constant 4 : i32
    %dma_start3A_83 = arith.constant 0 : i32
    %dma_start3A_84 = arith.constant 0 : i32
    %dma_start3A_85 = tpu.memref_slice %arg6[%dma_start3A_82, %dma_start3A_83, %dma_start3A_84] : memref<16x32x128xf32, #tpu.memory_space<vmem>> -> memref<1x32x128xf32, #tpu.memory_space<vmem>>
    %dma_start3A_86 = tpu.memref_squeeze %dma_start3A_85 : memref<1x32x128xf32, #tpu.memory_space<vmem>> -> memref<32x128xf32, #tpu.memory_space<vmem>>
    %dma_start3A_87 = arith.constant 0 : i32
    %dma_start3A_88 = tpu.memref_slice %arg3[%dma_start3A_87, %multiple_of3A_81] : memref<32x1000000xf32, #tpu.memory_space<hbm>> -> memref<32x128xf32, #tpu.memory_space<hbm>>
    %dma_start3A_89 = arith.constant 0 : i32
    %dma_start3A_90 = arith.constant 0 : i32
    %dma_start3A_91 = tpu.memref_slice %arg6[%dma_start3A_82, %dma_start3A_89, %dma_start3A_90] : memref<16x32x128xf32, #tpu.memory_space<vmem>> -> memref<1x32x128xf32, #tpu.memory_space<vmem>>
    %dma_start3A_92 = tpu.memref_squeeze %dma_start3A_91 : memref<1x32x128xf32, #tpu.memory_space<vmem>> -> memref<32x128xf32, #tpu.memory_space<vmem>>
    %dma_start3A_93 = arith.constant 0 : i32
    %dma_start3A_94 = tpu.memref_slice %arg3[%dma_start3A_93, %multiple_of3A_81] : memref<32x1000000xf32, #tpu.memory_space<hbm>> -> memref<32x128xf32, #tpu.memory_space<hbm>>
    tpu.enqueue_dma source(%dma_start3A_94 : memref<32x128xf32, #tpu.memory_space<hbm>>) target(%dma_start3A_92 : memref<32x128xf32, #tpu.memory_space<vmem>>) target_semaphore(%arg8 : memref<!tpu.dma_semaphore, #tpu.memory_space<semaphore_mem>>)
    %slice3A_95 = vector.extract_strided_slice %shift_right_arithmetic3A_8 {offsets = [5], sizes = [1], strides = [1]} : vector<16xi32> to vector<1xi32>
    %squeeze3A_96 = vector.extract %slice3A_95[0] : i32 from vector<1xi32>
    %mul3A_97 = arith.constant 128 : i32
    %mul3A_98 = arith.muli %squeeze3A_96, %mul3A_97 : i32
    %multiple_of3A_99 = tpu.assume_multiple %mul3A_98, 128 : i32
    %dma_start3A_100 = arith.constant 5 : i32
    %dma_start3A_101 = arith.constant 0 : i32
    %dma_start3A_102 = arith.constant 0 : i32
    %dma_start3A_103 = tpu.memref_slice %arg6[%dma_start3A_100, %dma_start3A_101, %dma_start3A_102] : memref<16x32x128xf32, #tpu.memory_space<vmem>> -> memref<1x32x128xf32, #tpu.memory_space<vmem>>
    %dma_start3A_104 = tpu.memref_squeeze %dma_start3A_103 : memref<1x32x128xf32, #tpu.memory_space<vmem>> -> memref<32x128xf32, #tpu.memory_space<vmem>>
    %dma_start3A_105 = arith.constant 0 : i32
    %dma_start3A_106 = tpu.memref_slice %arg3[%dma_start3A_105, %multiple_of3A_99] : memref<32x1000000xf32, #tpu.memory_space<hbm>> -> memref<32x128xf32, #tpu.memory_space<hbm>>
    %dma_start3A_107 = arith.constant 0 : i32
    %dma_start3A_108 = arith.constant 0 : i32
    %dma_start3A_109 = tpu.memref_slice %arg6[%dma_start3A_100, %dma_start3A_107, %dma_start3A_108] : memref<16x32x128xf32, #tpu.memory_space<vmem>> -> memref<1x32x128xf32, #tpu.memory_space<vmem>>
    %dma_start3A_110 = tpu.memref_squeeze %dma_start3A_109 : memref<1x32x128xf32, #tpu.memory_space<vmem>> -> memref<32x128xf32, #tpu.memory_space<vmem>>
    %dma_start3A_111 = arith.constant 0 : i32
    %dma_start3A_112 = tpu.memref_slice %arg3[%dma_start3A_111, %multiple_of3A_99] : memref<32x1000000xf32, #tpu.memory_space<hbm>> -> memref<32x128xf32, #tpu.memory_space<hbm>>
    tpu.enqueue_dma source(%dma_start3A_112 : memref<32x128xf32, #tpu.memory_space<hbm>>) target(%dma_start3A_110 : memref<32x128xf32, #tpu.memory_space<vmem>>) target_semaphore(%arg8 : memref<!tpu.dma_semaphore, #tpu.memory_space<semaphore_mem>>)
    %slice3A_113 = vector.extract_strided_slice %shift_right_arithmetic3A_8 {offsets = [6], sizes = [1], strides = [1]} : vector<16xi32> to vector<1xi32>
    %squeeze3A_114 = vector.extract %slice3A_113[0] : i32 from vector<1xi32>
    %mul3A_115 = arith.constant 128 : i32
    %mul3A_116 = arith.muli %squeeze3A_114, %mul3A_115 : i32
    %multiple_of3A_117 = tpu.assume_multiple %mul3A_116, 128 : i32
    %dma_start3A_118 = arith.constant 6 : i32
    %dma_start3A_119 = arith.constant 0 : i32
    %dma_start3A_120 = arith.constant 0 : i32
    %dma_start3A_121 = tpu.memref_slice %arg6[%dma_start3A_118, %dma_start3A_119, %dma_start3A_120] : memref<16x32x128xf32, #tpu.memory_space<vmem>> -> memref<1x32x128xf32, #tpu.memory_space<vmem>>
    %dma_start3A_122 = tpu.memref_squeeze %dma_start3A_121 : memref<1x32x128xf32, #tpu.memory_space<vmem>> -> memref<32x128xf32, #tpu.memory_space<vmem>>
    %dma_start3A_123 = arith.constant 0 : i32
    %dma_start3A_124 = tpu.memref_slice %arg3[%dma_start3A_123, %multiple_of3A_117] : memref<32x1000000xf32, #tpu.memory_space<hbm>> -> memref<32x128xf32, #tpu.memory_space<hbm>>
    %dma_start3A_125 = arith.constant 0 : i32
    %dma_start3A_126 = arith.constant 0 : i32
    %dma_start3A_127 = tpu.memref_slice %arg6[%dma_start3A_118, %dma_start3A_125, %dma_start3A_126] : memref<16x32x128xf32, #tpu.memory_space<vmem>> -> memref<1x32x128xf32, #tpu.memory_space<vmem>>
    %dma_start3A_128 = tpu.memref_squeeze %dma_start3A_127 : memref<1x32x128xf32, #tpu.memory_space<vmem>> -> memref<32x128xf32, #tpu.memory_space<vmem>>
    %dma_start3A_129 = arith.constant 0 : i32
    %dma_start3A_130 = tpu.memref_slice %arg3[%dma_start3A_129, %multiple_of3A_117] : memref<32x1000000xf32, #tpu.memory_space<hbm>> -> memref<32x128xf32, #tpu.memory_space<hbm>>
    tpu.enqueue_dma source(%dma_start3A_130 : memref<32x128xf32, #tpu.memory_space<hbm>>) target(%dma_start3A_128 : memref<32x128xf32, #tpu.memory_space<vmem>>) target_semaphore(%arg8 : memref<!tpu.dma_semaphore, #tpu.memory_space<semaphore_mem>>)
    %slice3A_131 = vector.extract_strided_slice %shift_right_arithmetic3A_8 {offsets = [7], sizes = [1], strides = [1]} : vector<16xi32> to vector<1xi32>
    %squeeze3A_132 = vector.extract %slice3A_131[0] : i32 from vector<1xi32>
    %mul3A_133 = arith.constant 128 : i32
    %mul3A_134 = arith.muli %squeeze3A_132, %mul3A_133 : i32
    %multiple_of3A_135 = tpu.assume_multiple %mul3A_134, 128 : i32
    %dma_start3A_136 = arith.constant 7 : i32
    %dma_start3A_137 = arith.constant 0 : i32
    %dma_start3A_138 = arith.constant 0 : i32
    %dma_start3A_139 = tpu.memref_slice %arg6[%dma_start3A_136, %dma_start3A_137, %dma_start3A_138] : memref<16x32x128xf32, #tpu.memory_space<vmem>> -> memref<1x32x128xf32, #tpu.memory_space<vmem>>
    %dma_start3A_140 = tpu.memref_squeeze %dma_start3A_139 : memref<1x32x128xf32, #tpu.memory_space<vmem>> -> memref<32x128xf32, #tpu.memory_space<vmem>>
    %dma_start3A_141 = arith.constant 0 : i32
    %dma_start3A_142 = tpu.memref_slice %arg3[%dma_start3A_141, %multiple_of3A_135] : memref<32x1000000xf32, #tpu.memory_space<hbm>> -> memref<32x128xf32, #tpu.memory_space<hbm>>
    %dma_start3A_143 = arith.constant 0 : i32
    %dma_start3A_144 = arith.constant 0 : i32
    %dma_start3A_145 = tpu.memref_slice %arg6[%dma_start3A_136, %dma_start3A_143, %dma_start3A_144] : memref<16x32x128xf32, #tpu.memory_space<vmem>> -> memref<1x32x128xf32, #tpu.memory_space<vmem>>
    %dma_start3A_146 = tpu.memref_squeeze %dma_start3A_145 : memref<1x32x128xf32, #tpu.memory_space<vmem>> -> memref<32x128xf32, #tpu.memory_space<vmem>>
    %dma_start3A_147 = arith.constant 0 : i32
    %dma_start3A_148 = tpu.memref_slice %arg3[%dma_start3A_147, %multiple_of3A_135] : memref<32x1000000xf32, #tpu.memory_space<hbm>> -> memref<32x128xf32, #tpu.memory_space<hbm>>
    tpu.enqueue_dma source(%dma_start3A_148 : memref<32x128xf32, #tpu.memory_space<hbm>>) target(%dma_start3A_146 : memref<32x128xf32, #tpu.memory_space<vmem>>) target_semaphore(%arg8 : memref<!tpu.dma_semaphore, #tpu.memory_space<semaphore_mem>>)
    %scan3A = arith.constant 0 : i32
    %scan3A_149 = arith.constant 32 : i32
    %scan3A_150 = arith.addi %scan3A, %scan3A_149 : i32
    %scan3A_151 = arith.constant 1 : i32
    scf.for %scan3A_153 = %scan3A to %scan3A_150 step %scan3A_151  : i32 {
      %mul3A_154 = arith.constant 1 : i32
      %mul3A_155 = arith.muli %scan3A_153, %mul3A_154 : i32
      %add3A_156 = arith.constant 0 : i32
      %add3A_157 = arith.addi %add3A_156, %mul3A_155 : i32
      %mul3A_158 = arith.constant 2 : i32
      %mul3A_159 = arith.muli %add3A_157, %mul3A_158 : i32
      %mul3A_160 = arith.constant 8 : i32
      %mul3A_161 = arith.muli %mul3A_159, %mul3A_160 : i32
      %get3A_162 = arith.index_cast %mul3A_161 : i32 to index
      %get3A_163 = tpu.vector_load %arg5[%get3A_162] {strides = array<i32>} : memref<512xi32, #tpu.memory_space<vmem>>, vector<16xi32>,
      %shift_right_arithmetic3A_164 = arith.constant 7 : i32
      %shift_right_arithmetic3A_165 = vector.broadcast %shift_right_arithmetic3A_164 : i32 to vector<16xi32>
      %shift_right_arithmetic3A_166 = arith.shrsi %get3A_163, %shift_right_arithmetic3A_165 : vector<16xi32>
      %and3A = arith.constant 127 : i32
      %and3A_167 = vector.broadcast %and3A : i32 to vector<16xi32>
      %and3A_168 = arith.andi %get3A_163, %and3A_167 : vector<16xi32>
      %slice3A_169 = vector.extract_strided_slice %shift_right_arithmetic3A_166 {offsets = [8], sizes = [1], strides = [1]} : vector<16xi32> to vector<1xi32>
      %squeeze3A_170 = vector.extract %slice3A_169[0] : i32 from vector<1xi32>
      %mul3A_171 = arith.constant 128 : i32
      %mul3A_172 = arith.muli %squeeze3A_170, %mul3A_171 : i32
      %multiple_of3A_173 = tpu.assume_multiple %mul3A_172, 128 : i32
      %dma_start3A_174 = arith.constant 8 : i32
      %dma_start3A_175 = arith.constant 0 : i32
      %dma_start3A_176 = arith.constant 0 : i32
      %dma_start3A_177 = tpu.memref_slice %arg6[%dma_start3A_174, %dma_start3A_175, %dma_start3A_176] : memref<16x32x128xf32, #tpu.memory_space<vmem>> -> memref<1x32x128xf32, #tpu.memory_space<vmem>>
      %dma_start3A_178 = tpu.memref_squeeze %dma_start3A_177 : memref<1x32x128xf32, #tpu.memory_space<vmem>> -> memref<32x128xf32, #tpu.memory_space<vmem>>
      %dma_start3A_179 = arith.constant 0 : i32
      %dma_start3A_180 = tpu.memref_slice %arg3[%dma_start3A_179, %multiple_of3A_173] : memref<32x1000000xf32, #tpu.memory_space<hbm>> -> memref<32x128xf32, #tpu.memory_space<hbm>>
      %dma_start3A_181 = arith.constant 0 : i32
      %dma_start3A_182 = arith.constant 0 : i32
      %dma_start3A_183 = tpu.memref_slice %arg6[%dma_start3A_174, %dma_start3A_181, %dma_start3A_182] : memref<16x32x128xf32, #tpu.memory_space<vmem>> -> memref<1x32x128xf32, #tpu.memory_space<vmem>>
      %dma_start3A_184 = tpu.memref_squeeze %dma_start3A_183 : memref<1x32x128xf32, #tpu.memory_space<vmem>> -> memref<32x128xf32, #tpu.memory_space<vmem>>
      %dma_start3A_185 = arith.constant 0 : i32
      %dma_start3A_186 = tpu.memref_slice %arg3[%dma_start3A_185, %multiple_of3A_173] : memref<32x1000000xf32, #tpu.memory_space<hbm>> -> memref<32x128xf32, #tpu.memory_space<hbm>>
      tpu.enqueue_dma source(%dma_start3A_186 : memref<32x128xf32, #tpu.memory_space<hbm>>) target(%dma_start3A_184 : memref<32x128xf32, #tpu.memory_space<vmem>>) target_semaphore(%arg9 : memref<!tpu.dma_semaphore, #tpu.memory_space<semaphore_mem>>)
      %slice3A_187 = vector.extract_strided_slice %shift_right_arithmetic3A_166 {offsets = [9], sizes = [1], strides = [1]} : vector<16xi32> to vector<1xi32>
      %squeeze3A_188 = vector.extract %slice3A_187[0] : i32 from vector<1xi32>
      %mul3A_189 = arith.constant 128 : i32
      %mul3A_190 = arith.muli %squeeze3A_188, %mul3A_189 : i32
      %multiple_of3A_191 = tpu.assume_multiple %mul3A_190, 128 : i32
      %dma_start3A_192 = arith.constant 9 : i32
      %dma_start3A_193 = arith.constant 0 : i32
      %dma_start3A_194 = arith.constant 0 : i32
      %dma_start3A_195 = tpu.memref_slice %arg6[%dma_start3A_192, %dma_start3A_193, %dma_start3A_194] : memref<16x32x128xf32, #tpu.memory_space<vmem>> -> memref<1x32x128xf32, #tpu.memory_space<vmem>>
      %dma_start3A_196 = tpu.memref_squeeze %dma_start3A_195 : memref<1x32x128xf32, #tpu.memory_space<vmem>> -> memref<32x128xf32, #tpu.memory_space<vmem>>
      %dma_start3A_197 = arith.constant 0 : i32
      %dma_start3A_198 = tpu.memref_slice %arg3[%dma_start3A_197, %multiple_of3A_191] : memref<32x1000000xf32, #tpu.memory_space<hbm>> -> memref<32x128xf32, #tpu.memory_space<hbm>>
      %dma_start3A_199 = arith.constant 0 : i32
      %dma_start3A_200 = arith.constant 0 : i32
      %dma_start3A_201 = tpu.memref_slice %arg6[%dma_start3A_192, %dma_start3A_199, %dma_start3A_200] : memref<16x32x128xf32, #tpu.memory_space<vmem>> -> memref<1x32x128xf32, #tpu.memory_space<vmem>>
      %dma_start3A_202 = tpu.memref_squeeze %dma_start3A_201 : memref<1x32x128xf32, #tpu.memory_space<vmem>> -> memref<32x128xf32, #tpu.memory_space<vmem>>
      %dma_start3A_203 = arith.constant 0 : i32
      %dma_start3A_204 = tpu.memref_slice %arg3[%dma_start3A_203, %multiple_of3A_191] : memref<32x1000000xf32, #tpu.memory_space<hbm>> -> memref<32x128xf32, #tpu.memory_space<hbm>>
      tpu.enqueue_dma source(%dma_start3A_204 : memref<32x128xf32, #tpu.memory_space<hbm>>) target(%dma_start3A_202 : memref<32x128xf32, #tpu.memory_space<vmem>>) target_semaphore(%arg9 : memref<!tpu.dma_semaphore, #tpu.memory_space<semaphore_mem>>)
      %slice3A_205 = vector.extract_strided_slice %shift_right_arithmetic3A_166 {offsets = [10], sizes = [1], strides = [1]} : vector<16xi32> to vector<1xi32>
      %squeeze3A_206 = vector.extract %slice3A_205[0] : i32 from vector<1xi32>
      %mul3A_207 = arith.constant 128 : i32
      %mul3A_208 = arith.muli %squeeze3A_206, %mul3A_207 : i32
      %multiple_of3A_209 = tpu.assume_multiple %mul3A_208, 128 : i32
      %dma_start3A_210 = arith.constant 10 : i32
      %dma_start3A_211 = arith.constant 0 : i32
      %dma_start3A_212 = arith.constant 0 : i32
      %dma_start3A_213 = tpu.memref_slice %arg6[%dma_start3A_210, %dma_start3A_211, %dma_start3A_212] : memref<16x32x128xf32, #tpu.memory_space<vmem>> -> memref<1x32x128xf32, #tpu.memory_space<vmem>>
      %dma_start3A_214 = tpu.memref_squeeze %dma_start3A_213 : memref<1x32x128xf32, #tpu.memory_space<vmem>> -> memref<32x128xf32, #tpu.memory_space<vmem>>
      %dma_start3A_215 = arith.constant 0 : i32
      %dma_start3A_216 = tpu.memref_slice %arg3[%dma_start3A_215, %multiple_of3A_209] : memref<32x1000000xf32, #tpu.memory_space<hbm>> -> memref<32x128xf32, #tpu.memory_space<hbm>>
      %dma_start3A_217 = arith.constant 0 : i32
      %dma_start3A_218 = arith.constant 0 : i32
      %dma_start3A_219 = tpu.memref_slice %arg6[%dma_start3A_210, %dma_start3A_217, %dma_start3A_218] : memref<16x32x128xf32, #tpu.memory_space<vmem>> -> memref<1x32x128xf32, #tpu.memory_space<vmem>>
      %dma_start3A_220 = tpu.memref_squeeze %dma_start3A_219 : memref<1x32x128xf32, #tpu.memory_space<vmem>> -> memref<32x128xf32, #tpu.memory_space<vmem>>
      %dma_start3A_221 = arith.constant 0 : i32
      %dma_start3A_222 = tpu.memref_slice %arg3[%dma_start3A_221, %multiple_of3A_209] : memref<32x1000000xf32, #tpu.memory_space<hbm>> -> memref<32x128xf32, #tpu.memory_space<hbm>>
      tpu.enqueue_dma source(%dma_start3A_222 : memref<32x128xf32, #tpu.memory_space<hbm>>) target(%dma_start3A_220 : memref<32x128xf32, #tpu.memory_space<vmem>>) target_semaphore(%arg9 : memref<!tpu.dma_semaphore, #tpu.memory_space<semaphore_mem>>)
      %slice3A_223 = vector.extract_strided_slice %shift_right_arithmetic3A_166 {offsets = [11], sizes = [1], strides = [1]} : vector<16xi32> to vector<1xi32>
      %squeeze3A_224 = vector.extract %slice3A_223[0] : i32 from vector<1xi32>
      %mul3A_225 = arith.constant 128 : i32
      %mul3A_226 = arith.muli %squeeze3A_224, %mul3A_225 : i32
      %multiple_of3A_227 = tpu.assume_multiple %mul3A_226, 128 : i32
      %dma_start3A_228 = arith.constant 11 : i32
      %dma_start3A_229 = arith.constant 0 : i32
      %dma_start3A_230 = arith.constant 0 : i32
      %dma_start3A_231 = tpu.memref_slice %arg6[%dma_start3A_228, %dma_start3A_229, %dma_start3A_230] : memref<16x32x128xf32, #tpu.memory_space<vmem>> -> memref<1x32x128xf32, #tpu.memory_space<vmem>>
      %dma_start3A_232 = tpu.memref_squeeze %dma_start3A_231 : memref<1x32x128xf32, #tpu.memory_space<vmem>> -> memref<32x128xf32, #tpu.memory_space<vmem>>
      %dma_start3A_233 = arith.constant 0 : i32
      %dma_start3A_234 = tpu.memref_slice %arg3[%dma_start3A_233, %multiple_of3A_227] : memref<32x1000000xf32, #tpu.memory_space<hbm>> -> memref<32x128xf32, #tpu.memory_space<hbm>>
      %dma_start3A_235 = arith.constant 0 : i32
      %dma_start3A_236 = arith.constant 0 : i32
      %dma_start3A_237 = tpu.memref_slice %arg6[%dma_start3A_228, %dma_start3A_235, %dma_start3A_236] : memref<16x32x128xf32, #tpu.memory_space<vmem>> -> memref<1x32x128xf32, #tpu.memory_space<vmem>>
      %dma_start3A_238 = tpu.memref_squeeze %dma_start3A_237 : memref<1x32x128xf32, #tpu.memory_space<vmem>> -> memref<32x128xf32, #tpu.memory_space<vmem>>
      %dma_start3A_239 = arith.constant 0 : i32
      %dma_start3A_240 = tpu.memref_slice %arg3[%dma_start3A_239, %multiple_of3A_227] : memref<32x1000000xf32, #tpu.memory_space<hbm>> -> memref<32x128xf32, #tpu.memory_space<hbm>>
      tpu.enqueue_dma source(%dma_start3A_240 : memref<32x128xf32, #tpu.memory_space<hbm>>) target(%dma_start3A_238 : memref<32x128xf32, #tpu.memory_space<vmem>>) target_semaphore(%arg9 : memref<!tpu.dma_semaphore, #tpu.memory_space<semaphore_mem>>)
      %slice3A_241 = vector.extract_strided_slice %shift_right_arithmetic3A_166 {offsets = [12], sizes = [1], strides = [1]} : vector<16xi32> to vector<1xi32>
      %squeeze3A_242 = vector.extract %slice3A_241[0] : i32 from vector<1xi32>
      %mul3A_243 = arith.constant 128 : i32
      %mul3A_244 = arith.muli %squeeze3A_242, %mul3A_243 : i32
      %multiple_of3A_245 = tpu.assume_multiple %mul3A_244, 128 : i32
      %dma_start3A_246 = arith.constant 12 : i32
      %dma_start3A_247 = arith.constant 0 : i32
      %dma_start3A_248 = arith.constant 0 : i32
      %dma_start3A_249 = tpu.memref_slice %arg6[%dma_start3A_246, %dma_start3A_247, %dma_start3A_248] : memref<16x32x128xf32, #tpu.memory_space<vmem>> -> memref<1x32x128xf32, #tpu.memory_space<vmem>>
      %dma_start3A_250 = tpu.memref_squeeze %dma_start3A_249 : memref<1x32x128xf32, #tpu.memory_space<vmem>> -> memref<32x128xf32, #tpu.memory_space<vmem>>
      %dma_start3A_251 = arith.constant 0 : i32
      %dma_start3A_252 = tpu.memref_slice %arg3[%dma_start3A_251, %multiple_of3A_245] : memref<32x1000000xf32, #tpu.memory_space<hbm>> -> memref<32x128xf32, #tpu.memory_space<hbm>>
      %dma_start3A_253 = arith.constant 0 : i32
      %dma_start3A_254 = arith.constant 0 : i32
      %dma_start3A_255 = tpu.memref_slice %arg6[%dma_start3A_246, %dma_start3A_253, %dma_start3A_254] : memref<16x32x128xf32, #tpu.memory_space<vmem>> -> memref<1x32x128xf32, #tpu.memory_space<vmem>>
      %dma_start3A_256 = tpu.memref_squeeze %dma_start3A_255 : memref<1x32x128xf32, #tpu.memory_space<vmem>> -> memref<32x128xf32, #tpu.memory_space<vmem>>
      %dma_start3A_257 = arith.constant 0 : i32
      %dma_start3A_258 = tpu.memref_slice %arg3[%dma_start3A_257, %multiple_of3A_245] : memref<32x1000000xf32, #tpu.memory_space<hbm>> -> memref<32x128xf32, #tpu.memory_space<hbm>>
      tpu.enqueue_dma source(%dma_start3A_258 : memref<32x128xf32, #tpu.memory_space<hbm>>) target(%dma_start3A_256 : memref<32x128xf32, #tpu.memory_space<vmem>>) target_semaphore(%arg9 : memref<!tpu.dma_semaphore, #tpu.memory_space<semaphore_mem>>)
      %slice3A_259 = vector.extract_strided_slice %shift_right_arithmetic3A_166 {offsets = [13], sizes = [1], strides = [1]} : vector<16xi32> to vector<1xi32>
      %squeeze3A_260 = vector.extract %slice3A_259[0] : i32 from vector<1xi32>
      %mul3A_261 = arith.constant 128 : i32
      %mul3A_262 = arith.muli %squeeze3A_260, %mul3A_261 : i32
      %multiple_of3A_263 = tpu.assume_multiple %mul3A_262, 128 : i32
      %dma_start3A_264 = arith.constant 13 : i32
      %dma_start3A_265 = arith.constant 0 : i32
      %dma_start3A_266 = arith.constant 0 : i32
      %dma_start3A_267 = tpu.memref_slice %arg6[%dma_start3A_264, %dma_start3A_265, %dma_start3A_266] : memref<16x32x128xf32, #tpu.memory_space<vmem>> -> memref<1x32x128xf32, #tpu.memory_space<vmem>>
      %dma_start3A_268 = tpu.memref_squeeze %dma_start3A_267 : memref<1x32x128xf32, #tpu.memory_space<vmem>> -> memref<32x128xf32, #tpu.memory_space<vmem>>
      %dma_start3A_269 = arith.constant 0 : i32
      %dma_start3A_270 = tpu.memref_slice %arg3[%dma_start3A_269, %multiple_of3A_263] : memref<32x1000000xf32, #tpu.memory_space<hbm>> -> memref<32x128xf32, #tpu.memory_space<hbm>>
      %dma_start3A_271 = arith.constant 0 : i32
      %dma_start3A_272 = arith.constant 0 : i32
      %dma_start3A_273 = tpu.memref_slice %arg6[%dma_start3A_264, %dma_start3A_271, %dma_start3A_272] : memref<16x32x128xf32, #tpu.memory_space<vmem>> -> memref<1x32x128xf32, #tpu.memory_space<vmem>>
      %dma_start3A_274 = tpu.memref_squeeze %dma_start3A_273 : memref<1x32x128xf32, #tpu.memory_space<vmem>> -> memref<32x128xf32, #tpu.memory_space<vmem>>
      %dma_start3A_275 = arith.constant 0 : i32
      %dma_start3A_276 = tpu.memref_slice %arg3[%dma_start3A_275, %multiple_of3A_263] : memref<32x1000000xf32, #tpu.memory_space<hbm>> -> memref<32x128xf32, #tpu.memory_space<hbm>>
      tpu.enqueue_dma source(%dma_start3A_276 : memref<32x128xf32, #tpu.memory_space<hbm>>) target(%dma_start3A_274 : memref<32x128xf32, #tpu.memory_space<vmem>>) target_semaphore(%arg9 : memref<!tpu.dma_semaphore, #tpu.memory_space<semaphore_mem>>)
      %slice3A_277 = vector.extract_strided_slice %shift_right_arithmetic3A_166 {offsets = [14], sizes = [1], strides = [1]} : vector<16xi32> to vector<1xi32>
      %squeeze3A_278 = vector.extract %slice3A_277[0] : i32 from vector<1xi32>
      %mul3A_279 = arith.constant 128 : i32
      %mul3A_280 = arith.muli %squeeze3A_278, %mul3A_279 : i32
      %multiple_of3A_281 = tpu.assume_multiple %mul3A_280, 128 : i32
      %dma_start3A_282 = arith.constant 14 : i32
      %dma_start3A_283 = arith.constant 0 : i32
      %dma_start3A_284 = arith.constant 0 : i32
      %dma_start3A_285 = tpu.memref_slice %arg6[%dma_start3A_282, %dma_start3A_283, %dma_start3A_284] : memref<16x32x128xf32, #tpu.memory_space<vmem>> -> memref<1x32x128xf32, #tpu.memory_space<vmem>>
      %dma_start3A_286 = tpu.memref_squeeze %dma_start3A_285 : memref<1x32x128xf32, #tpu.memory_space<vmem>> -> memref<32x128xf32, #tpu.memory_space<vmem>>
      %dma_start3A_287 = arith.constant 0 : i32
      %dma_start3A_288 = tpu.memref_slice %arg3[%dma_start3A_287, %multiple_of3A_281] : memref<32x1000000xf32, #tpu.memory_space<hbm>> -> memref<32x128xf32, #tpu.memory_space<hbm>>
      %dma_start3A_289 = arith.constant 0 : i32
      %dma_start3A_290 = arith.constant 0 : i32
      %dma_start3A_291 = tpu.memref_slice %arg6[%dma_start3A_282, %dma_start3A_289, %dma_start3A_290] : memref<16x32x128xf32, #tpu.memory_space<vmem>> -> memref<1x32x128xf32, #tpu.memory_space<vmem>>
      %dma_start3A_292 = tpu.memref_squeeze %dma_start3A_291 : memref<1x32x128xf32, #tpu.memory_space<vmem>> -> memref<32x128xf32, #tpu.memory_space<vmem>>
      %dma_start3A_293 = arith.constant 0 : i32
      %dma_start3A_294 = tpu.memref_slice %arg3[%dma_start3A_293, %multiple_of3A_281] : memref<32x1000000xf32, #tpu.memory_space<hbm>> -> memref<32x128xf32, #tpu.memory_space<hbm>>
      tpu.enqueue_dma source(%dma_start3A_294 : memref<32x128xf32, #tpu.memory_space<hbm>>) target(%dma_start3A_292 : memref<32x128xf32, #tpu.memory_space<vmem>>) target_semaphore(%arg9 : memref<!tpu.dma_semaphore, #tpu.memory_space<semaphore_mem>>)
      %slice3A_295 = vector.extract_strided_slice %shift_right_arithmetic3A_166 {offsets = [15], sizes = [1], strides = [1]} : vector<16xi32> to vector<1xi32>
      %squeeze3A_296 = vector.extract %slice3A_295[0] : i32 from vector<1xi32>
      %mul3A_297 = arith.constant 128 : i32
      %mul3A_298 = arith.muli %squeeze3A_296, %mul3A_297 : i32
      %multiple_of3A_299 = tpu.assume_multiple %mul3A_298, 128 : i32
      %dma_start3A_300 = arith.constant 15 : i32
      %dma_start3A_301 = arith.constant 0 : i32
      %dma_start3A_302 = arith.constant 0 : i32
      %dma_start3A_303 = tpu.memref_slice %arg6[%dma_start3A_300, %dma_start3A_301, %dma_start3A_302] : memref<16x32x128xf32, #tpu.memory_space<vmem>> -> memref<1x32x128xf32, #tpu.memory_space<vmem>>
      %dma_start3A_304 = tpu.memref_squeeze %dma_start3A_303 : memref<1x32x128xf32, #tpu.memory_space<vmem>> -> memref<32x128xf32, #tpu.memory_space<vmem>>
      %dma_start3A_305 = arith.constant 0 : i32
      %dma_start3A_306 = tpu.memref_slice %arg3[%dma_start3A_305, %multiple_of3A_299] : memref<32x1000000xf32, #tpu.memory_space<hbm>> -> memref<32x128xf32, #tpu.memory_space<hbm>>
      %dma_start3A_307 = arith.constant 0 : i32
      %dma_start3A_308 = arith.constant 0 : i32
      %dma_start3A_309 = tpu.memref_slice %arg6[%dma_start3A_300, %dma_start3A_307, %dma_start3A_308] : memref<16x32x128xf32, #tpu.memory_space<vmem>> -> memref<1x32x128xf32, #tpu.memory_space<vmem>>
      %dma_start3A_310 = tpu.memref_squeeze %dma_start3A_309 : memref<1x32x128xf32, #tpu.memory_space<vmem>> -> memref<32x128xf32, #tpu.memory_space<vmem>>
      %dma_start3A_311 = arith.constant 0 : i32
      %dma_start3A_312 = tpu.memref_slice %arg3[%dma_start3A_311, %multiple_of3A_299] : memref<32x1000000xf32, #tpu.memory_space<hbm>> -> memref<32x128xf32, #tpu.memory_space<hbm>>
      tpu.enqueue_dma source(%dma_start3A_312 : memref<32x128xf32, #tpu.memory_space<hbm>>) target(%dma_start3A_310 : memref<32x128xf32, #tpu.memory_space<vmem>>) target_semaphore(%arg9 : memref<!tpu.dma_semaphore, #tpu.memory_space<semaphore_mem>>)
      %dma_wait3A = arith.constant 0 : i32
      %dma_wait3A_313 = arith.constant 0 : i32
      %dma_wait3A_314 = arith.constant 0 : i32
      %dma_wait3A_315 = tpu.memref_slice %arg6[%dma_wait3A, %dma_wait3A_313, %dma_wait3A_314] : memref<16x32x128xf32, #tpu.memory_space<vmem>> -> memref<1x32x128xf32, #tpu.memory_space<vmem>>
      %dma_wait3A_316 = tpu.memref_squeeze %dma_wait3A_315 : memref<1x32x128xf32, #tpu.memory_space<vmem>> -> memref<32x128xf32, #tpu.memory_space<vmem>>
      %dma_wait3A_317 = arith.constant 0 : i32
      %dma_wait3A_318 = arith.constant 0 : i32
      %dma_wait3A_319 = tpu.memref_slice %arg3[%dma_wait3A_317, %dma_wait3A_318] : memref<32x1000000xf32, #tpu.memory_space<hbm>> -> memref<32x128xf32, #tpu.memory_space<hbm>>
      %dma_wait3A_320 = arith.constant 0 : i32
      %dma_wait3A_321 = arith.constant 0 : i32
      %dma_wait3A_322 = tpu.memref_slice %arg6[%dma_wait3A, %dma_wait3A_320, %dma_wait3A_321] : memref<16x32x128xf32, #tpu.memory_space<vmem>> -> memref<1x32x128xf32, #tpu.memory_space<vmem>>
      %dma_wait3A_323 = tpu.memref_squeeze %dma_wait3A_322 : memref<1x32x128xf32, #tpu.memory_space<vmem>> -> memref<32x128xf32, #tpu.memory_space<vmem>>
      %dma_wait3A_324 = arith.constant 0 : i32
      %dma_wait3A_325 = arith.constant 0 : i32
      %dma_wait3A_326 = tpu.memref_slice %arg3[%dma_wait3A_324, %dma_wait3A_325] : memref<32x1000000xf32, #tpu.memory_space<hbm>> -> memref<32x128xf32, #tpu.memory_space<hbm>>
      tpu.wait_dma2 semaphore(%arg8 : memref<!tpu.dma_semaphore, #tpu.memory_space<semaphore_mem>>) src(%dma_wait3A_326 : memref<32x128xf32, #tpu.memory_space<hbm>>) dst(%dma_wait3A_323 : memref<32x128xf32, #tpu.memory_space<vmem>>)
      %dma_wait3A_327 = arith.constant 1 : i32
      %dma_wait3A_328 = arith.constant 0 : i32
      %dma_wait3A_329 = arith.constant 0 : i32
      %dma_wait3A_330 = tpu.memref_slice %arg6[%dma_wait3A_327, %dma_wait3A_328, %dma_wait3A_329] : memref<16x32x128xf32, #tpu.memory_space<vmem>> -> memref<1x32x128xf32, #tpu.memory_space<vmem>>
      %dma_wait3A_331 = tpu.memref_squeeze %dma_wait3A_330 : memref<1x32x128xf32, #tpu.memory_space<vmem>> -> memref<32x128xf32, #tpu.memory_space<vmem>>
      %dma_wait3A_332 = arith.constant 0 : i32
      %dma_wait3A_333 = arith.constant 0 : i32
      %dma_wait3A_334 = tpu.memref_slice %arg3[%dma_wait3A_332, %dma_wait3A_333] : memref<32x1000000xf32, #tpu.memory_space<hbm>> -> memref<32x128xf32, #tpu.memory_space<hbm>>
      %dma_wait3A_335 = arith.constant 0 : i32
      %dma_wait3A_336 = arith.constant 0 : i32
      %dma_wait3A_337 = tpu.memref_slice %arg6[%dma_wait3A_327, %dma_wait3A_335, %dma_wait3A_336] : memref<16x32x128xf32, #tpu.memory_space<vmem>> -> memref<1x32x128xf32, #tpu.memory_space<vmem>>
      %dma_wait3A_338 = tpu.memref_squeeze %dma_wait3A_337 : memref<1x32x128xf32, #tpu.memory_space<vmem>> -> memref<32x128xf32, #tpu.memory_space<vmem>>
      %dma_wait3A_339 = arith.constant 0 : i32
      %dma_wait3A_340 = arith.constant 0 : i32
      %dma_wait3A_341 = tpu.memref_slice %arg3[%dma_wait3A_339, %dma_wait3A_340] : memref<32x1000000xf32, #tpu.memory_space<hbm>> -> memref<32x128xf32, #tpu.memory_space<hbm>>
      tpu.wait_dma2 semaphore(%arg8 : memref<!tpu.dma_semaphore, #tpu.memory_space<semaphore_mem>>) src(%dma_wait3A_341 : memref<32x128xf32, #tpu.memory_space<hbm>>) dst(%dma_wait3A_338 : memref<32x128xf32, #tpu.memory_space<vmem>>)
      %dma_wait3A_342 = arith.constant 2 : i32
      %dma_wait3A_343 = arith.constant 0 : i32
      %dma_wait3A_344 = arith.constant 0 : i32
      %dma_wait3A_345 = tpu.memref_slice %arg6[%dma_wait3A_342, %dma_wait3A_343, %dma_wait3A_344] : memref<16x32x128xf32, #tpu.memory_space<vmem>> -> memref<1x32x128xf32, #tpu.memory_space<vmem>>
      %dma_wait3A_346 = tpu.memref_squeeze %dma_wait3A_345 : memref<1x32x128xf32, #tpu.memory_space<vmem>> -> memref<32x128xf32, #tpu.memory_space<vmem>>
      %dma_wait3A_347 = arith.constant 0 : i32
      %dma_wait3A_348 = arith.constant 0 : i32
      %dma_wait3A_349 = tpu.memref_slice %arg3[%dma_wait3A_347, %dma_wait3A_348] : memref<32x1000000xf32, #tpu.memory_space<hbm>> -> memref<32x128xf32, #tpu.memory_space<hbm>>
      %dma_wait3A_350 = arith.constant 0 : i32
      %dma_wait3A_351 = arith.constant 0 : i32
      %dma_wait3A_352 = tpu.memref_slice %arg6[%dma_wait3A_342, %dma_wait3A_350, %dma_wait3A_351] : memref<16x32x128xf32, #tpu.memory_space<vmem>> -> memref<1x32x128xf32, #tpu.memory_space<vmem>>
      %dma_wait3A_353 = tpu.memref_squeeze %dma_wait3A_352 : memref<1x32x128xf32, #tpu.memory_space<vmem>> -> memref<32x128xf32, #tpu.memory_space<vmem>>
      %dma_wait3A_354 = arith.constant 0 : i32
      %dma_wait3A_355 = arith.constant 0 : i32
      %dma_wait3A_356 = tpu.memref_slice %arg3[%dma_wait3A_354, %dma_wait3A_355] : memref<32x1000000xf32, #tpu.memory_space<hbm>> -> memref<32x128xf32, #tpu.memory_space<hbm>>
      tpu.wait_dma2 semaphore(%arg8 : memref<!tpu.dma_semaphore, #tpu.memory_space<semaphore_mem>>) src(%dma_wait3A_356 : memref<32x128xf32, #tpu.memory_space<hbm>>) dst(%dma_wait3A_353 : memref<32x128xf32, #tpu.memory_space<vmem>>)
      %dma_wait3A_357 = arith.constant 3 : i32
      %dma_wait3A_358 = arith.constant 0 : i32
      %dma_wait3A_359 = arith.constant 0 : i32
      %dma_wait3A_360 = tpu.memref_slice %arg6[%dma_wait3A_357, %dma_wait3A_358, %dma_wait3A_359] : memref<16x32x128xf32, #tpu.memory_space<vmem>> -> memref<1x32x128xf32, #tpu.memory_space<vmem>>
      %dma_wait3A_361 = tpu.memref_squeeze %dma_wait3A_360 : memref<1x32x128xf32, #tpu.memory_space<vmem>> -> memref<32x128xf32, #tpu.memory_space<vmem>>
      %dma_wait3A_362 = arith.constant 0 : i32
      %dma_wait3A_363 = arith.constant 0 : i32
      %dma_wait3A_364 = tpu.memref_slice %arg3[%dma_wait3A_362, %dma_wait3A_363] : memref<32x1000000xf32, #tpu.memory_space<hbm>> -> memref<32x128xf32, #tpu.memory_space<hbm>>
      %dma_wait3A_365 = arith.constant 0 : i32
      %dma_wait3A_366 = arith.constant 0 : i32
      %dma_wait3A_367 = tpu.memref_slice %arg6[%dma_wait3A_357, %dma_wait3A_365, %dma_wait3A_366] : memref<16x32x128xf32, #tpu.memory_space<vmem>> -> memref<1x32x128xf32, #tpu.memory_space<vmem>>
      %dma_wait3A_368 = tpu.memref_squeeze %dma_wait3A_367 : memref<1x32x128xf32, #tpu.memory_space<vmem>> -> memref<32x128xf32, #tpu.memory_space<vmem>>
      %dma_wait3A_369 = arith.constant 0 : i32
      %dma_wait3A_370 = arith.constant 0 : i32
      %dma_wait3A_371 = tpu.memref_slice %arg3[%dma_wait3A_369, %dma_wait3A_370] : memref<32x1000000xf32, #tpu.memory_space<hbm>> -> memref<32x128xf32, #tpu.memory_space<hbm>>
      tpu.wait_dma2 semaphore(%arg8 : memref<!tpu.dma_semaphore, #tpu.memory_space<semaphore_mem>>) src(%dma_wait3A_371 : memref<32x128xf32, #tpu.memory_space<hbm>>) dst(%dma_wait3A_368 : memref<32x128xf32, #tpu.memory_space<vmem>>)
      %dma_wait3A_372 = arith.constant 4 : i32
      %dma_wait3A_373 = arith.constant 0 : i32
      %dma_wait3A_374 = arith.constant 0 : i32
      %dma_wait3A_375 = tpu.memref_slice %arg6[%dma_wait3A_372, %dma_wait3A_373, %dma_wait3A_374] : memref<16x32x128xf32, #tpu.memory_space<vmem>> -> memref<1x32x128xf32, #tpu.memory_space<vmem>>
      %dma_wait3A_376 = tpu.memref_squeeze %dma_wait3A_375 : memref<1x32x128xf32, #tpu.memory_space<vmem>> -> memref<32x128xf32, #tpu.memory_space<vmem>>
      %dma_wait3A_377 = arith.constant 0 : i32
      %dma_wait3A_378 = arith.constant 0 : i32
      %dma_wait3A_379 = tpu.memref_slice %arg3[%dma_wait3A_377, %dma_wait3A_378] : memref<32x1000000xf32, #tpu.memory_space<hbm>> -> memref<32x128xf32, #tpu.memory_space<hbm>>
      %dma_wait3A_380 = arith.constant 0 : i32
      %dma_wait3A_381 = arith.constant 0 : i32
      %dma_wait3A_382 = tpu.memref_slice %arg6[%dma_wait3A_372, %dma_wait3A_380, %dma_wait3A_381] : memref<16x32x128xf32, #tpu.memory_space<vmem>> -> memref<1x32x128xf32, #tpu.memory_space<vmem>>
      %dma_wait3A_383 = tpu.memref_squeeze %dma_wait3A_382 : memref<1x32x128xf32, #tpu.memory_space<vmem>> -> memref<32x128xf32, #tpu.memory_space<vmem>>
      %dma_wait3A_384 = arith.constant 0 : i32
      %dma_wait3A_385 = arith.constant 0 : i32
      %dma_wait3A_386 = tpu.memref_slice %arg3[%dma_wait3A_384, %dma_wait3A_385] : memref<32x1000000xf32, #tpu.memory_space<hbm>> -> memref<32x128xf32, #tpu.memory_space<hbm>>
      tpu.wait_dma2 semaphore(%arg8 : memref<!tpu.dma_semaphore, #tpu.memory_space<semaphore_mem>>) src(%dma_wait3A_386 : memref<32x128xf32, #tpu.memory_space<hbm>>) dst(%dma_wait3A_383 : memref<32x128xf32, #tpu.memory_space<vmem>>)
      %dma_wait3A_387 = arith.constant 5 : i32
      %dma_wait3A_388 = arith.constant 0 : i32
      %dma_wait3A_389 = arith.constant 0 : i32
      %dma_wait3A_390 = tpu.memref_slice %arg6[%dma_wait3A_387, %dma_wait3A_388, %dma_wait3A_389] : memref<16x32x128xf32, #tpu.memory_space<vmem>> -> memref<1x32x128xf32, #tpu.memory_space<vmem>>
      %dma_wait3A_391 = tpu.memref_squeeze %dma_wait3A_390 : memref<1x32x128xf32, #tpu.memory_space<vmem>> -> memref<32x128xf32, #tpu.memory_space<vmem>>
      %dma_wait3A_392 = arith.constant 0 : i32
      %dma_wait3A_393 = arith.constant 0 : i32
      %dma_wait3A_394 = tpu.memref_slice %arg3[%dma_wait3A_392, %dma_wait3A_393] : memref<32x1000000xf32, #tpu.memory_space<hbm>> -> memref<32x128xf32, #tpu.memory_space<hbm>>
      %dma_wait3A_395 = arith.constant 0 : i32
      %dma_wait3A_396 = arith.constant 0 : i32
      %dma_wait3A_397 = tpu.memref_slice %arg6[%dma_wait3A_387, %dma_wait3A_395, %dma_wait3A_396] : memref<16x32x128xf32, #tpu.memory_space<vmem>> -> memref<1x32x128xf32, #tpu.memory_space<vmem>>
      %dma_wait3A_398 = tpu.memref_squeeze %dma_wait3A_397 : memref<1x32x128xf32, #tpu.memory_space<vmem>> -> memref<32x128xf32, #tpu.memory_space<vmem>>
      %dma_wait3A_399 = arith.constant 0 : i32
      %dma_wait3A_400 = arith.constant 0 : i32
      %dma_wait3A_401 = tpu.memref_slice %arg3[%dma_wait3A_399, %dma_wait3A_400] : memref<32x1000000xf32, #tpu.memory_space<hbm>> -> memref<32x128xf32, #tpu.memory_space<hbm>>
      tpu.wait_dma2 semaphore(%arg8 : memref<!tpu.dma_semaphore, #tpu.memory_space<semaphore_mem>>) src(%dma_wait3A_401 : memref<32x128xf32, #tpu.memory_space<hbm>>) dst(%dma_wait3A_398 : memref<32x128xf32, #tpu.memory_space<vmem>>)
      %dma_wait3A_402 = arith.constant 6 : i32
      %dma_wait3A_403 = arith.constant 0 : i32
      %dma_wait3A_404 = arith.constant 0 : i32
      %dma_wait3A_405 = tpu.memref_slice %arg6[%dma_wait3A_402, %dma_wait3A_403, %dma_wait3A_404] : memref<16x32x128xf32, #tpu.memory_space<vmem>> -> memref<1x32x128xf32, #tpu.memory_space<vmem>>
      %dma_wait3A_406 = tpu.memref_squeeze %dma_wait3A_405 : memref<1x32x128xf32, #tpu.memory_space<vmem>> -> memref<32x128xf32, #tpu.memory_space<vmem>>
      %dma_wait3A_407 = arith.constant 0 : i32
      %dma_wait3A_408 = arith.constant 0 : i32
      %dma_wait3A_409 = tpu.memref_slice %arg3[%dma_wait3A_407, %dma_wait3A_408] : memref<32x1000000xf32, #tpu.memory_space<hbm>> -> memref<32x128xf32, #tpu.memory_space<hbm>>
      %dma_wait3A_410 = arith.constant 0 : i32
      %dma_wait3A_411 = arith.constant 0 : i32
      %dma_wait3A_412 = tpu.memref_slice %arg6[%dma_wait3A_402, %dma_wait3A_410, %dma_wait3A_411] : memref<16x32x128xf32, #tpu.memory_space<vmem>> -> memref<1x32x128xf32, #tpu.memory_space<vmem>>
      %dma_wait3A_413 = tpu.memref_squeeze %dma_wait3A_412 : memref<1x32x128xf32, #tpu.memory_space<vmem>> -> memref<32x128xf32, #tpu.memory_space<vmem>>
      %dma_wait3A_414 = arith.constant 0 : i32
      %dma_wait3A_415 = arith.constant 0 : i32
      %dma_wait3A_416 = tpu.memref_slice %arg3[%dma_wait3A_414, %dma_wait3A_415] : memref<32x1000000xf32, #tpu.memory_space<hbm>> -> memref<32x128xf32, #tpu.memory_space<hbm>>
      tpu.wait_dma2 semaphore(%arg8 : memref<!tpu.dma_semaphore, #tpu.memory_space<semaphore_mem>>) src(%dma_wait3A_416 : memref<32x128xf32, #tpu.memory_space<hbm>>) dst(%dma_wait3A_413 : memref<32x128xf32, #tpu.memory_space<vmem>>)
      %dma_wait3A_417 = arith.constant 7 : i32
      %dma_wait3A_418 = arith.constant 0 : i32
      %dma_wait3A_419 = arith.constant 0 : i32
      %dma_wait3A_420 = tpu.memref_slice %arg6[%dma_wait3A_417, %dma_wait3A_418, %dma_wait3A_419] : memref<16x32x128xf32, #tpu.memory_space<vmem>> -> memref<1x32x128xf32, #tpu.memory_space<vmem>>
      %dma_wait3A_421 = tpu.memref_squeeze %dma_wait3A_420 : memref<1x32x128xf32, #tpu.memory_space<vmem>> -> memref<32x128xf32, #tpu.memory_space<vmem>>
      %dma_wait3A_422 = arith.constant 0 : i32
      %dma_wait3A_423 = arith.constant 0 : i32
      %dma_wait3A_424 = tpu.memref_slice %arg3[%dma_wait3A_422, %dma_wait3A_423] : memref<32x1000000xf32, #tpu.memory_space<hbm>> -> memref<32x128xf32, #tpu.memory_space<hbm>>
      %dma_wait3A_425 = arith.constant 0 : i32
      %dma_wait3A_426 = arith.constant 0 : i32
      %dma_wait3A_427 = tpu.memref_slice %arg6[%dma_wait3A_417, %dma_wait3A_425, %dma_wait3A_426] : memref<16x32x128xf32, #tpu.memory_space<vmem>> -> memref<1x32x128xf32, #tpu.memory_space<vmem>>
      %dma_wait3A_428 = tpu.memref_squeeze %dma_wait3A_427 : memref<1x32x128xf32, #tpu.memory_space<vmem>> -> memref<32x128xf32, #tpu.memory_space<vmem>>
      %dma_wait3A_429 = arith.constant 0 : i32
      %dma_wait3A_430 = arith.constant 0 : i32
      %dma_wait3A_431 = tpu.memref_slice %arg3[%dma_wait3A_429, %dma_wait3A_430] : memref<32x1000000xf32, #tpu.memory_space<hbm>> -> memref<32x128xf32, #tpu.memory_space<hbm>>
      tpu.wait_dma2 semaphore(%arg8 : memref<!tpu.dma_semaphore, #tpu.memory_space<semaphore_mem>>) src(%dma_wait3A_431 : memref<32x128xf32, #tpu.memory_space<hbm>>) dst(%dma_wait3A_428 : memref<32x128xf32, #tpu.memory_space<vmem>>)
      %slice3A_432 = vector.extract_strided_slice %and3A_168 {offsets = [0], sizes = [1], strides = [1]} : vector<16xi32> to vector<1xi32>
      %squeeze3A_433 = vector.extract %slice3A_432[0] : i32 from vector<1xi32>
      %mul3A_434 = arith.constant 2 : i32
      %mul3A_435 = arith.muli %add3A_157, %mul3A_434 : i32
      %mul3A_436 = arith.constant 8 : i32
      %mul3A_437 = arith.muli %mul3A_435, %mul3A_436 : i32
      %add3A_438 = arith.constant 0 : i32
      %add3A_439 = arith.addi %mul3A_437, %add3A_438 : i32
      %broadcast_in_dim3A = vector.broadcast %squeeze3A_433 : i32 to vector<16xi32>
      %broadcast_in_dim3A_440 = arith.constant 0 : i32
      %broadcast_in_dim3A_441 = vector.broadcast %broadcast_in_dim3A_440 : i32 to vector<16xi32>
      %broadcast_in_dim3A_442 = vector.broadcast %add3A_439 : i32 to vector<16xi32>
      %gather3A = tpu.vector_load_idx %arg6[%broadcast_in_dim3A_441, %iota3A, %broadcast_in_dim3A] : memref<16x32x128xf32, #tpu.memory_space<vmem>>[vector<16xi32>, vector<16xi32>, vector<16xi32>], vector<16xf32>,
      %gather3A_443 = tpu.vector_load_idx %arg6[%broadcast_in_dim3A_441, %add3A_5, %broadcast_in_dim3A] : memref<16x32x128xf32, #tpu.memory_space<vmem>>[vector<16xi32>, vector<16xi32>, vector<16xi32>], vector<16xf32>,
      tpu.vector_store_idx %arg7[%iota3A, %broadcast_in_dim3A_442], %gather3A : memref<32x512xf32, #tpu.memory_space<vmem>>[vector<16xi32>, vector<16xi32>], vector<16xf32>,
      tpu.vector_store_idx %arg7[%add3A_5, %broadcast_in_dim3A_442], %gather3A_443 : memref<32x512xf32, #tpu.memory_space<vmem>>[vector<16xi32>, vector<16xi32>], vector<16xf32>,
      %slice3A_444 = vector.extract_strided_slice %and3A_168 {offsets = [1], sizes = [1], strides = [1]} : vector<16xi32> to vector<1xi32>
      %squeeze3A_445 = vector.extract %slice3A_444[0] : i32 from vector<1xi32>
      %mul3A_446 = arith.constant 2 : i32
      %mul3A_447 = arith.muli %add3A_157, %mul3A_446 : i32
      %mul3A_448 = arith.constant 8 : i32
      %mul3A_449 = arith.muli %mul3A_447, %mul3A_448 : i32
      %add3A_450 = arith.constant 1 : i32
      %add3A_451 = arith.addi %mul3A_449, %add3A_450 : i32
      %broadcast_in_dim3A_452 = vector.broadcast %squeeze3A_445 : i32 to vector<16xi32>
      %broadcast_in_dim3A_453 = arith.constant 1 : i32
      %broadcast_in_dim3A_454 = vector.broadcast %broadcast_in_dim3A_453 : i32 to vector<16xi32>
      %broadcast_in_dim3A_455 = vector.broadcast %add3A_451 : i32 to vector<16xi32>
      %gather3A_456 = tpu.vector_load_idx %arg6[%broadcast_in_dim3A_454, %iota3A, %broadcast_in_dim3A_452] : memref<16x32x128xf32, #tpu.memory_space<vmem>>[vector<16xi32>, vector<16xi32>, vector<16xi32>], vector<16xf32>,
      %gather3A_457 = tpu.vector_load_idx %arg6[%broadcast_in_dim3A_454, %add3A_5, %broadcast_in_dim3A_452] : memref<16x32x128xf32, #tpu.memory_space<vmem>>[vector<16xi32>, vector<16xi32>, vector<16xi32>], vector<16xf32>,
      tpu.vector_store_idx %arg7[%iota3A, %broadcast_in_dim3A_455], %gather3A_456 : memref<32x512xf32, #tpu.memory_space<vmem>>[vector<16xi32>, vector<16xi32>], vector<16xf32>,
      tpu.vector_store_idx %arg7[%add3A_5, %broadcast_in_dim3A_455], %gather3A_457 : memref<32x512xf32, #tpu.memory_space<vmem>>[vector<16xi32>, vector<16xi32>], vector<16xf32>,
      %slice3A_458 = vector.extract_strided_slice %and3A_168 {offsets = [2], sizes = [1], strides = [1]} : vector<16xi32> to vector<1xi32>
      %squeeze3A_459 = vector.extract %slice3A_458[0] : i32 from vector<1xi32>
      %mul3A_460 = arith.constant 2 : i32
      %mul3A_461 = arith.muli %add3A_157, %mul3A_460 : i32
      %mul3A_462 = arith.constant 8 : i32
      %mul3A_463 = arith.muli %mul3A_461, %mul3A_462 : i32
      %add3A_464 = arith.constant 2 : i32
      %add3A_465 = arith.addi %mul3A_463, %add3A_464 : i32
      %broadcast_in_dim3A_466 = vector.broadcast %squeeze3A_459 : i32 to vector<16xi32>
      %broadcast_in_dim3A_467 = arith.constant 2 : i32
      %broadcast_in_dim3A_468 = vector.broadcast %broadcast_in_dim3A_467 : i32 to vector<16xi32>
      %broadcast_in_dim3A_469 = vector.broadcast %add3A_465 : i32 to vector<16xi32>
      %gather3A_470 = tpu.vector_load_idx %arg6[%broadcast_in_dim3A_468, %iota3A, %broadcast_in_dim3A_466] : memref<16x32x128xf32, #tpu.memory_space<vmem>>[vector<16xi32>, vector<16xi32>, vector<16xi32>], vector<16xf32>,
      %gather3A_471 = tpu.vector_load_idx %arg6[%broadcast_in_dim3A_468, %add3A_5, %broadcast_in_dim3A_466] : memref<16x32x128xf32, #tpu.memory_space<vmem>>[vector<16xi32>, vector<16xi32>, vector<16xi32>], vector<16xf32>,
      tpu.vector_store_idx %arg7[%iota3A, %broadcast_in_dim3A_469], %gather3A_470 : memref<32x512xf32, #tpu.memory_space<vmem>>[vector<16xi32>, vector<16xi32>], vector<16xf32>,
      tpu.vector_store_idx %arg7[%add3A_5, %broadcast_in_dim3A_469], %gather3A_471 : memref<32x512xf32, #tpu.memory_space<vmem>>[vector<16xi32>, vector<16xi32>], vector<16xf32>,
      %slice3A_472 = vector.extract_strided_slice %and3A_168 {offsets = [3], sizes = [1], strides = [1]} : vector<16xi32> to vector<1xi32>
      %squeeze3A_473 = vector.extract %slice3A_472[0] : i32 from vector<1xi32>
      %mul3A_474 = arith.constant 2 : i32
      %mul3A_475 = arith.muli %add3A_157, %mul3A_474 : i32
      %mul3A_476 = arith.constant 8 : i32
      %mul3A_477 = arith.muli %mul3A_475, %mul3A_476 : i32
      %add3A_478 = arith.constant 3 : i32
      %add3A_479 = arith.addi %mul3A_477, %add3A_478 : i32
      %broadcast_in_dim3A_480 = vector.broadcast %squeeze3A_473 : i32 to vector<16xi32>
      %broadcast_in_dim3A_481 = arith.constant 3 : i32
      %broadcast_in_dim3A_482 = vector.broadcast %broadcast_in_dim3A_481 : i32 to vector<16xi32>
      %broadcast_in_dim3A_483 = vector.broadcast %add3A_479 : i32 to vector<16xi32>
      %gather3A_484 = tpu.vector_load_idx %arg6[%broadcast_in_dim3A_482, %iota3A, %broadcast_in_dim3A_480] : memref<16x32x128xf32, #tpu.memory_space<vmem>>[vector<16xi32>, vector<16xi32>, vector<16xi32>], vector<16xf32>,
      %gather3A_485 = tpu.vector_load_idx %arg6[%broadcast_in_dim3A_482, %add3A_5, %broadcast_in_dim3A_480] : memref<16x32x128xf32, #tpu.memory_space<vmem>>[vector<16xi32>, vector<16xi32>, vector<16xi32>], vector<16xf32>,
      tpu.vector_store_idx %arg7[%iota3A, %broadcast_in_dim3A_483], %gather3A_484 : memref<32x512xf32, #tpu.memory_space<vmem>>[vector<16xi32>, vector<16xi32>], vector<16xf32>,
      tpu.vector_store_idx %arg7[%add3A_5, %broadcast_in_dim3A_483], %gather3A_485 : memref<32x512xf32, #tpu.memory_space<vmem>>[vector<16xi32>, vector<16xi32>], vector<16xf32>,
      %slice3A_486 = vector.extract_strided_slice %and3A_168 {offsets = [4], sizes = [1], strides = [1]} : vector<16xi32> to vector<1xi32>
      %squeeze3A_487 = vector.extract %slice3A_486[0] : i32 from vector<1xi32>
      %mul3A_488 = arith.constant 2 : i32
      %mul3A_489 = arith.muli %add3A_157, %mul3A_488 : i32
      %mul3A_490 = arith.constant 8 : i32
      %mul3A_491 = arith.muli %mul3A_489, %mul3A_490 : i32
      %add3A_492 = arith.constant 4 : i32
      %add3A_493 = arith.addi %mul3A_491, %add3A_492 : i32
      %broadcast_in_dim3A_494 = vector.broadcast %squeeze3A_487 : i32 to vector<16xi32>
      %broadcast_in_dim3A_495 = arith.constant 4 : i32
      %broadcast_in_dim3A_496 = vector.broadcast %broadcast_in_dim3A_495 : i32 to vector<16xi32>
      %broadcast_in_dim3A_497 = vector.broadcast %add3A_493 : i32 to vector<16xi32>
      %gather3A_498 = tpu.vector_load_idx %arg6[%broadcast_in_dim3A_496, %iota3A, %broadcast_in_dim3A_494] : memref<16x32x128xf32, #tpu.memory_space<vmem>>[vector<16xi32>, vector<16xi32>, vector<16xi32>], vector<16xf32>,
      %gather3A_499 = tpu.vector_load_idx %arg6[%broadcast_in_dim3A_496, %add3A_5, %broadcast_in_dim3A_494] : memref<16x32x128xf32, #tpu.memory_space<vmem>>[vector<16xi32>, vector<16xi32>, vector<16xi32>], vector<16xf32>,
      tpu.vector_store_idx %arg7[%iota3A, %broadcast_in_dim3A_497], %gather3A_498 : memref<32x512xf32, #tpu.memory_space<vmem>>[vector<16xi32>, vector<16xi32>], vector<16xf32>,
      tpu.vector_store_idx %arg7[%add3A_5, %broadcast_in_dim3A_497], %gather3A_499 : memref<32x512xf32, #tpu.memory_space<vmem>>[vector<16xi32>, vector<16xi32>], vector<16xf32>,
      %slice3A_500 = vector.extract_strided_slice %and3A_168 {offsets = [5], sizes = [1], strides = [1]} : vector<16xi32> to vector<1xi32>
      %squeeze3A_501 = vector.extract %slice3A_500[0] : i32 from vector<1xi32>
      %mul3A_502 = arith.constant 2 : i32
      %mul3A_503 = arith.muli %add3A_157, %mul3A_502 : i32
      %mul3A_504 = arith.constant 8 : i32
      %mul3A_505 = arith.muli %mul3A_503, %mul3A_504 : i32
      %add3A_506 = arith.constant 5 : i32
      %add3A_507 = arith.addi %mul3A_505, %add3A_506 : i32
      %broadcast_in_dim3A_508 = vector.broadcast %squeeze3A_501 : i32 to vector<16xi32>
      %broadcast_in_dim3A_509 = arith.constant 5 : i32
      %broadcast_in_dim3A_510 = vector.broadcast %broadcast_in_dim3A_509 : i32 to vector<16xi32>
      %broadcast_in_dim3A_511 = vector.broadcast %add3A_507 : i32 to vector<16xi32>
      %gather3A_512 = tpu.vector_load_idx %arg6[%broadcast_in_dim3A_510, %iota3A, %broadcast_in_dim3A_508] : memref<16x32x128xf32, #tpu.memory_space<vmem>>[vector<16xi32>, vector<16xi32>, vector<16xi32>], vector<16xf32>,
      %gather3A_513 = tpu.vector_load_idx %arg6[%broadcast_in_dim3A_510, %add3A_5, %broadcast_in_dim3A_508] : memref<16x32x128xf32, #tpu.memory_space<vmem>>[vector<16xi32>, vector<16xi32>, vector<16xi32>], vector<16xf32>,
      tpu.vector_store_idx %arg7[%iota3A, %broadcast_in_dim3A_511], %gather3A_512 : memref<32x512xf32, #tpu.memory_space<vmem>>[vector<16xi32>, vector<16xi32>], vector<16xf32>,
      tpu.vector_store_idx %arg7[%add3A_5, %broadcast_in_dim3A_511], %gather3A_513 : memref<32x512xf32, #tpu.memory_space<vmem>>[vector<16xi32>, vector<16xi32>], vector<16xf32>,
      %slice3A_514 = vector.extract_strided_slice %and3A_168 {offsets = [6], sizes = [1], strides = [1]} : vector<16xi32> to vector<1xi32>
      %squeeze3A_515 = vector.extract %slice3A_514[0] : i32 from vector<1xi32>
      %mul3A_516 = arith.constant 2 : i32
      %mul3A_517 = arith.muli %add3A_157, %mul3A_516 : i32
      %mul3A_518 = arith.constant 8 : i32
      %mul3A_519 = arith.muli %mul3A_517, %mul3A_518 : i32
      %add3A_520 = arith.constant 6 : i32
      %add3A_521 = arith.addi %mul3A_519, %add3A_520 : i32
      %broadcast_in_dim3A_522 = vector.broadcast %squeeze3A_515 : i32 to vector<16xi32>
      %broadcast_in_dim3A_523 = arith.constant 6 : i32
      %broadcast_in_dim3A_524 = vector.broadcast %broadcast_in_dim3A_523 : i32 to vector<16xi32>
      %broadcast_in_dim3A_525 = vector.broadcast %add3A_521 : i32 to vector<16xi32>
      %gather3A_526 = tpu.vector_load_idx %arg6[%broadcast_in_dim3A_524, %iota3A, %broadcast_in_dim3A_522] : memref<16x32x128xf32, #tpu.memory_space<vmem>>[vector<16xi32>, vector<16xi32>, vector<16xi32>], vector<16xf32>,
      %gather3A_527 = tpu.vector_load_idx %arg6[%broadcast_in_dim3A_524, %add3A_5, %broadcast_in_dim3A_522] : memref<16x32x128xf32, #tpu.memory_space<vmem>>[vector<16xi32>, vector<16xi32>, vector<16xi32>], vector<16xf32>,
      tpu.vector_store_idx %arg7[%iota3A, %broadcast_in_dim3A_525], %gather3A_526 : memref<32x512xf32, #tpu.memory_space<vmem>>[vector<16xi32>, vector<16xi32>], vector<16xf32>,
      tpu.vector_store_idx %arg7[%add3A_5, %broadcast_in_dim3A_525], %gather3A_527 : memref<32x512xf32, #tpu.memory_space<vmem>>[vector<16xi32>, vector<16xi32>], vector<16xf32>,
      %slice3A_528 = vector.extract_strided_slice %and3A_168 {offsets = [7], sizes = [1], strides = [1]} : vector<16xi32> to vector<1xi32>
      %squeeze3A_529 = vector.extract %slice3A_528[0] : i32 from vector<1xi32>
      %mul3A_530 = arith.constant 2 : i32
      %mul3A_531 = arith.muli %add3A_157, %mul3A_530 : i32
      %mul3A_532 = arith.constant 8 : i32
      %mul3A_533 = arith.muli %mul3A_531, %mul3A_532 : i32
      %add3A_534 = arith.constant 7 : i32
      %add3A_535 = arith.addi %mul3A_533, %add3A_534 : i32
      %broadcast_in_dim3A_536 = vector.broadcast %squeeze3A_529 : i32 to vector<16xi32>
      %broadcast_in_dim3A_537 = arith.constant 7 : i32
      %broadcast_in_dim3A_538 = vector.broadcast %broadcast_in_dim3A_537 : i32 to vector<16xi32>
      %broadcast_in_dim3A_539 = vector.broadcast %add3A_535 : i32 to vector<16xi32>
      %gather3A_540 = tpu.vector_load_idx %arg6[%broadcast_in_dim3A_538, %iota3A, %broadcast_in_dim3A_536] : memref<16x32x128xf32, #tpu.memory_space<vmem>>[vector<16xi32>, vector<16xi32>, vector<16xi32>], vector<16xf32>,
      %gather3A_541 = tpu.vector_load_idx %arg6[%broadcast_in_dim3A_538, %add3A_5, %broadcast_in_dim3A_536] : memref<16x32x128xf32, #tpu.memory_space<vmem>>[vector<16xi32>, vector<16xi32>, vector<16xi32>], vector<16xf32>,
      tpu.vector_store_idx %arg7[%iota3A, %broadcast_in_dim3A_539], %gather3A_540 : memref<32x512xf32, #tpu.memory_space<vmem>>[vector<16xi32>, vector<16xi32>], vector<16xf32>,
      tpu.vector_store_idx %arg7[%add3A_5, %broadcast_in_dim3A_539], %gather3A_541 : memref<32x512xf32, #tpu.memory_space<vmem>>[vector<16xi32>, vector<16xi32>], vector<16xf32>,
      %lt3A = arith.constant 31 : i32
      %lt3A_542 = arith.cmpi slt, %add3A_157, %lt3A : i32
      %convert_element_type3A = arith.extui %lt3A_542 : i1 to i32
      %cond3A = arith.constant 0 : i32
      %cond3A_543 = arith.cmpi ne, %convert_element_type3A, %cond3A : i32
      scf.if %cond3A_543 {
        %add3A_792 = arith.constant 1 : i32
        %add3A_793 = arith.addi %add3A_157, %add3A_792 : i32
        %mul3A_794 = arith.constant 2 : i32
        %mul3A_795 = arith.muli %add3A_793, %mul3A_794 : i32
        %mul3A_796 = arith.constant 8 : i32
        %mul3A_797 = arith.muli %mul3A_795, %mul3A_796 : i32
        %get3A_798 = arith.index_cast %mul3A_797 : i32 to index
        %get3A_799 = tpu.vector_load %arg5[%get3A_798] {strides = array<i32>} : memref<512xi32, #tpu.memory_space<vmem>>, vector<16xi32>,
        %shift_right_arithmetic3A_800 = arith.constant 7 : i32
        %shift_right_arithmetic3A_801 = vector.broadcast %shift_right_arithmetic3A_800 : i32 to vector<16xi32>
        %shift_right_arithmetic3A_802 = arith.shrsi %get3A_799, %shift_right_arithmetic3A_801 : vector<16xi32>
        %slice3A_803 = vector.extract_strided_slice %shift_right_arithmetic3A_802 {offsets = [0], sizes = [1], strides = [1]} : vector<16xi32> to vector<1xi32>
        %squeeze3A_804 = vector.extract %slice3A_803[0] : i32 from vector<1xi32>
        %mul3A_805 = arith.constant 128 : i32
        %mul3A_806 = arith.muli %squeeze3A_804, %mul3A_805 : i32
        %multiple_of3A_807 = tpu.assume_multiple %mul3A_806, 128 : i32
        %dma_start3A_808 = arith.constant 0 : i32
        %dma_start3A_809 = arith.constant 0 : i32
        %dma_start3A_810 = arith.constant 0 : i32
        %dma_start3A_811 = tpu.memref_slice %arg6[%dma_start3A_808, %dma_start3A_809, %dma_start3A_810] : memref<16x32x128xf32, #tpu.memory_space<vmem>> -> memref<1x32x128xf32, #tpu.memory_space<vmem>>
        %dma_start3A_812 = tpu.memref_squeeze %dma_start3A_811 : memref<1x32x128xf32, #tpu.memory_space<vmem>> -> memref<32x128xf32, #tpu.memory_space<vmem>>
        %dma_start3A_813 = arith.constant 0 : i32
        %dma_start3A_814 = tpu.memref_slice %arg3[%dma_start3A_813, %multiple_of3A_807] : memref<32x1000000xf32, #tpu.memory_space<hbm>> -> memref<32x128xf32, #tpu.memory_space<hbm>>
        %dma_start3A_815 = arith.constant 0 : i32
        %dma_start3A_816 = arith.constant 0 : i32
        %dma_start3A_817 = tpu.memref_slice %arg6[%dma_start3A_808, %dma_start3A_815, %dma_start3A_816] : memref<16x32x128xf32, #tpu.memory_space<vmem>> -> memref<1x32x128xf32, #tpu.memory_space<vmem>>
        %dma_start3A_818 = tpu.memref_squeeze %dma_start3A_817 : memref<1x32x128xf32, #tpu.memory_space<vmem>> -> memref<32x128xf32, #tpu.memory_space<vmem>>
        %dma_start3A_819 = arith.constant 0 : i32
        %dma_start3A_820 = tpu.memref_slice %arg3[%dma_start3A_819, %multiple_of3A_807] : memref<32x1000000xf32, #tpu.memory_space<hbm>> -> memref<32x128xf32, #tpu.memory_space<hbm>>
        tpu.enqueue_dma source(%dma_start3A_820 : memref<32x128xf32, #tpu.memory_space<hbm>>) target(%dma_start3A_818 : memref<32x128xf32, #tpu.memory_space<vmem>>) target_semaphore(%arg8 : memref<!tpu.dma_semaphore, #tpu.memory_space<semaphore_mem>>)
        %slice3A_821 = vector.extract_strided_slice %shift_right_arithmetic3A_802 {offsets = [1], sizes = [1], strides = [1]} : vector<16xi32> to vector<1xi32>
        %squeeze3A_822 = vector.extract %slice3A_821[0] : i32 from vector<1xi32>
        %mul3A_823 = arith.constant 128 : i32
        %mul3A_824 = arith.muli %squeeze3A_822, %mul3A_823 : i32
        %multiple_of3A_825 = tpu.assume_multiple %mul3A_824, 128 : i32
        %dma_start3A_826 = arith.constant 1 : i32
        %dma_start3A_827 = arith.constant 0 : i32
        %dma_start3A_828 = arith.constant 0 : i32
        %dma_start3A_829 = tpu.memref_slice %arg6[%dma_start3A_826, %dma_start3A_827, %dma_start3A_828] : memref<16x32x128xf32, #tpu.memory_space<vmem>> -> memref<1x32x128xf32, #tpu.memory_space<vmem>>
        %dma_start3A_830 = tpu.memref_squeeze %dma_start3A_829 : memref<1x32x128xf32, #tpu.memory_space<vmem>> -> memref<32x128xf32, #tpu.memory_space<vmem>>
        %dma_start3A_831 = arith.constant 0 : i32
        %dma_start3A_832 = tpu.memref_slice %arg3[%dma_start3A_831, %multiple_of3A_825] : memref<32x1000000xf32, #tpu.memory_space<hbm>> -> memref<32x128xf32, #tpu.memory_space<hbm>>
        %dma_start3A_833 = arith.constant 0 : i32
        %dma_start3A_834 = arith.constant 0 : i32
        %dma_start3A_835 = tpu.memref_slice %arg6[%dma_start3A_826, %dma_start3A_833, %dma_start3A_834] : memref<16x32x128xf32, #tpu.memory_space<vmem>> -> memref<1x32x128xf32, #tpu.memory_space<vmem>>
        %dma_start3A_836 = tpu.memref_squeeze %dma_start3A_835 : memref<1x32x128xf32, #tpu.memory_space<vmem>> -> memref<32x128xf32, #tpu.memory_space<vmem>>
        %dma_start3A_837 = arith.constant 0 : i32
        %dma_start3A_838 = tpu.memref_slice %arg3[%dma_start3A_837, %multiple_of3A_825] : memref<32x1000000xf32, #tpu.memory_space<hbm>> -> memref<32x128xf32, #tpu.memory_space<hbm>>
        tpu.enqueue_dma source(%dma_start3A_838 : memref<32x128xf32, #tpu.memory_space<hbm>>) target(%dma_start3A_836 : memref<32x128xf32, #tpu.memory_space<vmem>>) target_semaphore(%arg8 : memref<!tpu.dma_semaphore, #tpu.memory_space<semaphore_mem>>)
        %slice3A_839 = vector.extract_strided_slice %shift_right_arithmetic3A_802 {offsets = [2], sizes = [1], strides = [1]} : vector<16xi32> to vector<1xi32>
        %squeeze3A_840 = vector.extract %slice3A_839[0] : i32 from vector<1xi32>
        %mul3A_841 = arith.constant 128 : i32
        %mul3A_842 = arith.muli %squeeze3A_840, %mul3A_841 : i32
        %multiple_of3A_843 = tpu.assume_multiple %mul3A_842, 128 : i32
        %dma_start3A_844 = arith.constant 2 : i32
        %dma_start3A_845 = arith.constant 0 : i32
        %dma_start3A_846 = arith.constant 0 : i32
        %dma_start3A_847 = tpu.memref_slice %arg6[%dma_start3A_844, %dma_start3A_845, %dma_start3A_846] : memref<16x32x128xf32, #tpu.memory_space<vmem>> -> memref<1x32x128xf32, #tpu.memory_space<vmem>>
        %dma_start3A_848 = tpu.memref_squeeze %dma_start3A_847 : memref<1x32x128xf32, #tpu.memory_space<vmem>> -> memref<32x128xf32, #tpu.memory_space<vmem>>
        %dma_start3A_849 = arith.constant 0 : i32
        %dma_start3A_850 = tpu.memref_slice %arg3[%dma_start3A_849, %multiple_of3A_843] : memref<32x1000000xf32, #tpu.memory_space<hbm>> -> memref<32x128xf32, #tpu.memory_space<hbm>>
        %dma_start3A_851 = arith.constant 0 : i32
        %dma_start3A_852 = arith.constant 0 : i32
        %dma_start3A_853 = tpu.memref_slice %arg6[%dma_start3A_844, %dma_start3A_851, %dma_start3A_852] : memref<16x32x128xf32, #tpu.memory_space<vmem>> -> memref<1x32x128xf32, #tpu.memory_space<vmem>>
        %dma_start3A_854 = tpu.memref_squeeze %dma_start3A_853 : memref<1x32x128xf32, #tpu.memory_space<vmem>> -> memref<32x128xf32, #tpu.memory_space<vmem>>
        %dma_start3A_855 = arith.constant 0 : i32
        %dma_start3A_856 = tpu.memref_slice %arg3[%dma_start3A_855, %multiple_of3A_843] : memref<32x1000000xf32, #tpu.memory_space<hbm>> -> memref<32x128xf32, #tpu.memory_space<hbm>>
        tpu.enqueue_dma source(%dma_start3A_856 : memref<32x128xf32, #tpu.memory_space<hbm>>) target(%dma_start3A_854 : memref<32x128xf32, #tpu.memory_space<vmem>>) target_semaphore(%arg8 : memref<!tpu.dma_semaphore, #tpu.memory_space<semaphore_mem>>)
        %slice3A_857 = vector.extract_strided_slice %shift_right_arithmetic3A_802 {offsets = [3], sizes = [1], strides = [1]} : vector<16xi32> to vector<1xi32>
        %squeeze3A_858 = vector.extract %slice3A_857[0] : i32 from vector<1xi32>
        %mul3A_859 = arith.constant 128 : i32
        %mul3A_860 = arith.muli %squeeze3A_858, %mul3A_859 : i32
        %multiple_of3A_861 = tpu.assume_multiple %mul3A_860, 128 : i32
        %dma_start3A_862 = arith.constant 3 : i32
        %dma_start3A_863 = arith.constant 0 : i32
        %dma_start3A_864 = arith.constant 0 : i32
        %dma_start3A_865 = tpu.memref_slice %arg6[%dma_start3A_862, %dma_start3A_863, %dma_start3A_864] : memref<16x32x128xf32, #tpu.memory_space<vmem>> -> memref<1x32x128xf32, #tpu.memory_space<vmem>>
        %dma_start3A_866 = tpu.memref_squeeze %dma_start3A_865 : memref<1x32x128xf32, #tpu.memory_space<vmem>> -> memref<32x128xf32, #tpu.memory_space<vmem>>
        %dma_start3A_867 = arith.constant 0 : i32
        %dma_start3A_868 = tpu.memref_slice %arg3[%dma_start3A_867, %multiple_of3A_861] : memref<32x1000000xf32, #tpu.memory_space<hbm>> -> memref<32x128xf32, #tpu.memory_space<hbm>>
        %dma_start3A_869 = arith.constant 0 : i32
        %dma_start3A_870 = arith.constant 0 : i32
        %dma_start3A_871 = tpu.memref_slice %arg6[%dma_start3A_862, %dma_start3A_869, %dma_start3A_870] : memref<16x32x128xf32, #tpu.memory_space<vmem>> -> memref<1x32x128xf32, #tpu.memory_space<vmem>>
        %dma_start3A_872 = tpu.memref_squeeze %dma_start3A_871 : memref<1x32x128xf32, #tpu.memory_space<vmem>> -> memref<32x128xf32, #tpu.memory_space<vmem>>
        %dma_start3A_873 = arith.constant 0 : i32
        %dma_start3A_874 = tpu.memref_slice %arg3[%dma_start3A_873, %multiple_of3A_861] : memref<32x1000000xf32, #tpu.memory_space<hbm>> -> memref<32x128xf32, #tpu.memory_space<hbm>>
        tpu.enqueue_dma source(%dma_start3A_874 : memref<32x128xf32, #tpu.memory_space<hbm>>) target(%dma_start3A_872 : memref<32x128xf32, #tpu.memory_space<vmem>>) target_semaphore(%arg8 : memref<!tpu.dma_semaphore, #tpu.memory_space<semaphore_mem>>)
        %slice3A_875 = vector.extract_strided_slice %shift_right_arithmetic3A_802 {offsets = [4], sizes = [1], strides = [1]} : vector<16xi32> to vector<1xi32>
        %squeeze3A_876 = vector.extract %slice3A_875[0] : i32 from vector<1xi32>
        %mul3A_877 = arith.constant 128 : i32
        %mul3A_878 = arith.muli %squeeze3A_876, %mul3A_877 : i32
        %multiple_of3A_879 = tpu.assume_multiple %mul3A_878, 128 : i32
        %dma_start3A_880 = arith.constant 4 : i32
        %dma_start3A_881 = arith.constant 0 : i32
        %dma_start3A_882 = arith.constant 0 : i32
        %dma_start3A_883 = tpu.memref_slice %arg6[%dma_start3A_880, %dma_start3A_881, %dma_start3A_882] : memref<16x32x128xf32, #tpu.memory_space<vmem>> -> memref<1x32x128xf32, #tpu.memory_space<vmem>>
        %dma_start3A_884 = tpu.memref_squeeze %dma_start3A_883 : memref<1x32x128xf32, #tpu.memory_space<vmem>> -> memref<32x128xf32, #tpu.memory_space<vmem>>
        %dma_start3A_885 = arith.constant 0 : i32
        %dma_start3A_886 = tpu.memref_slice %arg3[%dma_start3A_885, %multiple_of3A_879] : memref<32x1000000xf32, #tpu.memory_space<hbm>> -> memref<32x128xf32, #tpu.memory_space<hbm>>
        %dma_start3A_887 = arith.constant 0 : i32
        %dma_start3A_888 = arith.constant 0 : i32
        %dma_start3A_889 = tpu.memref_slice %arg6[%dma_start3A_880, %dma_start3A_887, %dma_start3A_888] : memref<16x32x128xf32, #tpu.memory_space<vmem>> -> memref<1x32x128xf32, #tpu.memory_space<vmem>>
        %dma_start3A_890 = tpu.memref_squeeze %dma_start3A_889 : memref<1x32x128xf32, #tpu.memory_space<vmem>> -> memref<32x128xf32, #tpu.memory_space<vmem>>
        %dma_start3A_891 = arith.constant 0 : i32
        %dma_start3A_892 = tpu.memref_slice %arg3[%dma_start3A_891, %multiple_of3A_879] : memref<32x1000000xf32, #tpu.memory_space<hbm>> -> memref<32x128xf32, #tpu.memory_space<hbm>>
        tpu.enqueue_dma source(%dma_start3A_892 : memref<32x128xf32, #tpu.memory_space<hbm>>) target(%dma_start3A_890 : memref<32x128xf32, #tpu.memory_space<vmem>>) target_semaphore(%arg8 : memref<!tpu.dma_semaphore, #tpu.memory_space<semaphore_mem>>)
        %slice3A_893 = vector.extract_strided_slice %shift_right_arithmetic3A_802 {offsets = [5], sizes = [1], strides = [1]} : vector<16xi32> to vector<1xi32>
        %squeeze3A_894 = vector.extract %slice3A_893[0] : i32 from vector<1xi32>
        %mul3A_895 = arith.constant 128 : i32
        %mul3A_896 = arith.muli %squeeze3A_894, %mul3A_895 : i32
        %multiple_of3A_897 = tpu.assume_multiple %mul3A_896, 128 : i32
        %dma_start3A_898 = arith.constant 5 : i32
        %dma_start3A_899 = arith.constant 0 : i32
        %dma_start3A_900 = arith.constant 0 : i32
        %dma_start3A_901 = tpu.memref_slice %arg6[%dma_start3A_898, %dma_start3A_899, %dma_start3A_900] : memref<16x32x128xf32, #tpu.memory_space<vmem>> -> memref<1x32x128xf32, #tpu.memory_space<vmem>>
        %dma_start3A_902 = tpu.memref_squeeze %dma_start3A_901 : memref<1x32x128xf32, #tpu.memory_space<vmem>> -> memref<32x128xf32, #tpu.memory_space<vmem>>
        %dma_start3A_903 = arith.constant 0 : i32
        %dma_start3A_904 = tpu.memref_slice %arg3[%dma_start3A_903, %multiple_of3A_897] : memref<32x1000000xf32, #tpu.memory_space<hbm>> -> memref<32x128xf32, #tpu.memory_space<hbm>>
        %dma_start3A_905 = arith.constant 0 : i32
        %dma_start3A_906 = arith.constant 0 : i32
        %dma_start3A_907 = tpu.memref_slice %arg6[%dma_start3A_898, %dma_start3A_905, %dma_start3A_906] : memref<16x32x128xf32, #tpu.memory_space<vmem>> -> memref<1x32x128xf32, #tpu.memory_space<vmem>>
        %dma_start3A_908 = tpu.memref_squeeze %dma_start3A_907 : memref<1x32x128xf32, #tpu.memory_space<vmem>> -> memref<32x128xf32, #tpu.memory_space<vmem>>
        %dma_start3A_909 = arith.constant 0 : i32
        %dma_start3A_910 = tpu.memref_slice %arg3[%dma_start3A_909, %multiple_of3A_897] : memref<32x1000000xf32, #tpu.memory_space<hbm>> -> memref<32x128xf32, #tpu.memory_space<hbm>>
        tpu.enqueue_dma source(%dma_start3A_910 : memref<32x128xf32, #tpu.memory_space<hbm>>) target(%dma_start3A_908 : memref<32x128xf32, #tpu.memory_space<vmem>>) target_semaphore(%arg8 : memref<!tpu.dma_semaphore, #tpu.memory_space<semaphore_mem>>)
        %slice3A_911 = vector.extract_strided_slice %shift_right_arithmetic3A_802 {offsets = [6], sizes = [1], strides = [1]} : vector<16xi32> to vector<1xi32>
        %squeeze3A_912 = vector.extract %slice3A_911[0] : i32 from vector<1xi32>
        %mul3A_913 = arith.constant 128 : i32
        %mul3A_914 = arith.muli %squeeze3A_912, %mul3A_913 : i32
        %multiple_of3A_915 = tpu.assume_multiple %mul3A_914, 128 : i32
        %dma_start3A_916 = arith.constant 6 : i32
        %dma_start3A_917 = arith.constant 0 : i32
        %dma_start3A_918 = arith.constant 0 : i32
        %dma_start3A_919 = tpu.memref_slice %arg6[%dma_start3A_916, %dma_start3A_917, %dma_start3A_918] : memref<16x32x128xf32, #tpu.memory_space<vmem>> -> memref<1x32x128xf32, #tpu.memory_space<vmem>>
        %dma_start3A_920 = tpu.memref_squeeze %dma_start3A_919 : memref<1x32x128xf32, #tpu.memory_space<vmem>> -> memref<32x128xf32, #tpu.memory_space<vmem>>
        %dma_start3A_921 = arith.constant 0 : i32
        %dma_start3A_922 = tpu.memref_slice %arg3[%dma_start3A_921, %multiple_of3A_915] : memref<32x1000000xf32, #tpu.memory_space<hbm>> -> memref<32x128xf32, #tpu.memory_space<hbm>>
        %dma_start3A_923 = arith.constant 0 : i32
        %dma_start3A_924 = arith.constant 0 : i32
        %dma_start3A_925 = tpu.memref_slice %arg6[%dma_start3A_916, %dma_start3A_923, %dma_start3A_924] : memref<16x32x128xf32, #tpu.memory_space<vmem>> -> memref<1x32x128xf32, #tpu.memory_space<vmem>>
        %dma_start3A_926 = tpu.memref_squeeze %dma_start3A_925 : memref<1x32x128xf32, #tpu.memory_space<vmem>> -> memref<32x128xf32, #tpu.memory_space<vmem>>
        %dma_start3A_927 = arith.constant 0 : i32
        %dma_start3A_928 = tpu.memref_slice %arg3[%dma_start3A_927, %multiple_of3A_915] : memref<32x1000000xf32, #tpu.memory_space<hbm>> -> memref<32x128xf32, #tpu.memory_space<hbm>>
        tpu.enqueue_dma source(%dma_start3A_928 : memref<32x128xf32, #tpu.memory_space<hbm>>) target(%dma_start3A_926 : memref<32x128xf32, #tpu.memory_space<vmem>>) target_semaphore(%arg8 : memref<!tpu.dma_semaphore, #tpu.memory_space<semaphore_mem>>)
        %slice3A_929 = vector.extract_strided_slice %shift_right_arithmetic3A_802 {offsets = [7], sizes = [1], strides = [1]} : vector<16xi32> to vector<1xi32>
        %squeeze3A_930 = vector.extract %slice3A_929[0] : i32 from vector<1xi32>
        %mul3A_931 = arith.constant 128 : i32
        %mul3A_932 = arith.muli %squeeze3A_930, %mul3A_931 : i32
        %multiple_of3A_933 = tpu.assume_multiple %mul3A_932, 128 : i32
        %dma_start3A_934 = arith.constant 7 : i32
        %dma_start3A_935 = arith.constant 0 : i32
        %dma_start3A_936 = arith.constant 0 : i32
        %dma_start3A_937 = tpu.memref_slice %arg6[%dma_start3A_934, %dma_start3A_935, %dma_start3A_936] : memref<16x32x128xf32, #tpu.memory_space<vmem>> -> memref<1x32x128xf32, #tpu.memory_space<vmem>>
        %dma_start3A_938 = tpu.memref_squeeze %dma_start3A_937 : memref<1x32x128xf32, #tpu.memory_space<vmem>> -> memref<32x128xf32, #tpu.memory_space<vmem>>
        %dma_start3A_939 = arith.constant 0 : i32
        %dma_start3A_940 = tpu.memref_slice %arg3[%dma_start3A_939, %multiple_of3A_933] : memref<32x1000000xf32, #tpu.memory_space<hbm>> -> memref<32x128xf32, #tpu.memory_space<hbm>>
        %dma_start3A_941 = arith.constant 0 : i32
        %dma_start3A_942 = arith.constant 0 : i32
        %dma_start3A_943 = tpu.memref_slice %arg6[%dma_start3A_934, %dma_start3A_941, %dma_start3A_942] : memref<16x32x128xf32, #tpu.memory_space<vmem>> -> memref<1x32x128xf32, #tpu.memory_space<vmem>>
        %dma_start3A_944 = tpu.memref_squeeze %dma_start3A_943 : memref<1x32x128xf32, #tpu.memory_space<vmem>> -> memref<32x128xf32, #tpu.memory_space<vmem>>
        %dma_start3A_945 = arith.constant 0 : i32
        %dma_start3A_946 = tpu.memref_slice %arg3[%dma_start3A_945, %multiple_of3A_933] : memref<32x1000000xf32, #tpu.memory_space<hbm>> -> memref<32x128xf32, #tpu.memory_space<hbm>>
        tpu.enqueue_dma source(%dma_start3A_946 : memref<32x128xf32, #tpu.memory_space<hbm>>) target(%dma_start3A_944 : memref<32x128xf32, #tpu.memory_space<vmem>>) target_semaphore(%arg8 : memref<!tpu.dma_semaphore, #tpu.memory_space<semaphore_mem>>)
      } else {
      }
      %dma_wait3A_544 = arith.constant 8 : i32
      %dma_wait3A_545 = arith.constant 0 : i32
      %dma_wait3A_546 = arith.constant 0 : i32
      %dma_wait3A_547 = tpu.memref_slice %arg6[%dma_wait3A_544, %dma_wait3A_545, %dma_wait3A_546] : memref<16x32x128xf32, #tpu.memory_space<vmem>> -> memref<1x32x128xf32, #tpu.memory_space<vmem>>
      %dma_wait3A_548 = tpu.memref_squeeze %dma_wait3A_547 : memref<1x32x128xf32, #tpu.memory_space<vmem>> -> memref<32x128xf32, #tpu.memory_space<vmem>>
      %dma_wait3A_549 = arith.constant 0 : i32
      %dma_wait3A_550 = arith.constant 0 : i32
      %dma_wait3A_551 = tpu.memref_slice %arg3[%dma_wait3A_549, %dma_wait3A_550] : memref<32x1000000xf32, #tpu.memory_space<hbm>> -> memref<32x128xf32, #tpu.memory_space<hbm>>
      %dma_wait3A_552 = arith.constant 0 : i32
      %dma_wait3A_553 = arith.constant 0 : i32
      %dma_wait3A_554 = tpu.memref_slice %arg6[%dma_wait3A_544, %dma_wait3A_552, %dma_wait3A_553] : memref<16x32x128xf32, #tpu.memory_space<vmem>> -> memref<1x32x128xf32, #tpu.memory_space<vmem>>
      %dma_wait3A_555 = tpu.memref_squeeze %dma_wait3A_554 : memref<1x32x128xf32, #tpu.memory_space<vmem>> -> memref<32x128xf32, #tpu.memory_space<vmem>>
      %dma_wait3A_556 = arith.constant 0 : i32
      %dma_wait3A_557 = arith.constant 0 : i32
      %dma_wait3A_558 = tpu.memref_slice %arg3[%dma_wait3A_556, %dma_wait3A_557] : memref<32x1000000xf32, #tpu.memory_space<hbm>> -> memref<32x128xf32, #tpu.memory_space<hbm>>
      tpu.wait_dma2 semaphore(%arg9 : memref<!tpu.dma_semaphore, #tpu.memory_space<semaphore_mem>>) src(%dma_wait3A_558 : memref<32x128xf32, #tpu.memory_space<hbm>>) dst(%dma_wait3A_555 : memref<32x128xf32, #tpu.memory_space<vmem>>)
      %dma_wait3A_559 = arith.constant 9 : i32
      %dma_wait3A_560 = arith.constant 0 : i32
      %dma_wait3A_561 = arith.constant 0 : i32
      %dma_wait3A_562 = tpu.memref_slice %arg6[%dma_wait3A_559, %dma_wait3A_560, %dma_wait3A_561] : memref<16x32x128xf32, #tpu.memory_space<vmem>> -> memref<1x32x128xf32, #tpu.memory_space<vmem>>
      %dma_wait3A_563 = tpu.memref_squeeze %dma_wait3A_562 : memref<1x32x128xf32, #tpu.memory_space<vmem>> -> memref<32x128xf32, #tpu.memory_space<vmem>>
      %dma_wait3A_564 = arith.constant 0 : i32
      %dma_wait3A_565 = arith.constant 0 : i32
      %dma_wait3A_566 = tpu.memref_slice %arg3[%dma_wait3A_564, %dma_wait3A_565] : memref<32x1000000xf32, #tpu.memory_space<hbm>> -> memref<32x128xf32, #tpu.memory_space<hbm>>
      %dma_wait3A_567 = arith.constant 0 : i32
      %dma_wait3A_568 = arith.constant 0 : i32
      %dma_wait3A_569 = tpu.memref_slice %arg6[%dma_wait3A_559, %dma_wait3A_567, %dma_wait3A_568] : memref<16x32x128xf32, #tpu.memory_space<vmem>> -> memref<1x32x128xf32, #tpu.memory_space<vmem>>
      %dma_wait3A_570 = tpu.memref_squeeze %dma_wait3A_569 : memref<1x32x128xf32, #tpu.memory_space<vmem>> -> memref<32x128xf32, #tpu.memory_space<vmem>>
      %dma_wait3A_571 = arith.constant 0 : i32
      %dma_wait3A_572 = arith.constant 0 : i32
      %dma_wait3A_573 = tpu.memref_slice %arg3[%dma_wait3A_571, %dma_wait3A_572] : memref<32x1000000xf32, #tpu.memory_space<hbm>> -> memref<32x128xf32, #tpu.memory_space<hbm>>
      tpu.wait_dma2 semaphore(%arg9 : memref<!tpu.dma_semaphore, #tpu.memory_space<semaphore_mem>>) src(%dma_wait3A_573 : memref<32x128xf32, #tpu.memory_space<hbm>>) dst(%dma_wait3A_570 : memref<32x128xf32, #tpu.memory_space<vmem>>)
      %dma_wait3A_574 = arith.constant 10 : i32
      %dma_wait3A_575 = arith.constant 0 : i32
      %dma_wait3A_576 = arith.constant 0 : i32
      %dma_wait3A_577 = tpu.memref_slice %arg6[%dma_wait3A_574, %dma_wait3A_575, %dma_wait3A_576] : memref<16x32x128xf32, #tpu.memory_space<vmem>> -> memref<1x32x128xf32, #tpu.memory_space<vmem>>
      %dma_wait3A_578 = tpu.memref_squeeze %dma_wait3A_577 : memref<1x32x128xf32, #tpu.memory_space<vmem>> -> memref<32x128xf32, #tpu.memory_space<vmem>>
      %dma_wait3A_579 = arith.constant 0 : i32
      %dma_wait3A_580 = arith.constant 0 : i32
      %dma_wait3A_581 = tpu.memref_slice %arg3[%dma_wait3A_579, %dma_wait3A_580] : memref<32x1000000xf32, #tpu.memory_space<hbm>> -> memref<32x128xf32, #tpu.memory_space<hbm>>
      %dma_wait3A_582 = arith.constant 0 : i32
      %dma_wait3A_583 = arith.constant 0 : i32
      %dma_wait3A_584 = tpu.memref_slice %arg6[%dma_wait3A_574, %dma_wait3A_582, %dma_wait3A_583] : memref<16x32x128xf32, #tpu.memory_space<vmem>> -> memref<1x32x128xf32, #tpu.memory_space<vmem>>
      %dma_wait3A_585 = tpu.memref_squeeze %dma_wait3A_584 : memref<1x32x128xf32, #tpu.memory_space<vmem>> -> memref<32x128xf32, #tpu.memory_space<vmem>>
      %dma_wait3A_586 = arith.constant 0 : i32
      %dma_wait3A_587 = arith.constant 0 : i32
      %dma_wait3A_588 = tpu.memref_slice %arg3[%dma_wait3A_586, %dma_wait3A_587] : memref<32x1000000xf32, #tpu.memory_space<hbm>> -> memref<32x128xf32, #tpu.memory_space<hbm>>
      tpu.wait_dma2 semaphore(%arg9 : memref<!tpu.dma_semaphore, #tpu.memory_space<semaphore_mem>>) src(%dma_wait3A_588 : memref<32x128xf32, #tpu.memory_space<hbm>>) dst(%dma_wait3A_585 : memref<32x128xf32, #tpu.memory_space<vmem>>)
      %dma_wait3A_589 = arith.constant 11 : i32
      %dma_wait3A_590 = arith.constant 0 : i32
      %dma_wait3A_591 = arith.constant 0 : i32
      %dma_wait3A_592 = tpu.memref_slice %arg6[%dma_wait3A_589, %dma_wait3A_590, %dma_wait3A_591] : memref<16x32x128xf32, #tpu.memory_space<vmem>> -> memref<1x32x128xf32, #tpu.memory_space<vmem>>
      %dma_wait3A_593 = tpu.memref_squeeze %dma_wait3A_592 : memref<1x32x128xf32, #tpu.memory_space<vmem>> -> memref<32x128xf32, #tpu.memory_space<vmem>>
      %dma_wait3A_594 = arith.constant 0 : i32
      %dma_wait3A_595 = arith.constant 0 : i32
      %dma_wait3A_596 = tpu.memref_slice %arg3[%dma_wait3A_594, %dma_wait3A_595] : memref<32x1000000xf32, #tpu.memory_space<hbm>> -> memref<32x128xf32, #tpu.memory_space<hbm>>
      %dma_wait3A_597 = arith.constant 0 : i32
      %dma_wait3A_598 = arith.constant 0 : i32
      %dma_wait3A_599 = tpu.memref_slice %arg6[%dma_wait3A_589, %dma_wait3A_597, %dma_wait3A_598] : memref<16x32x128xf32, #tpu.memory_space<vmem>> -> memref<1x32x128xf32, #tpu.memory_space<vmem>>
      %dma_wait3A_600 = tpu.memref_squeeze %dma_wait3A_599 : memref<1x32x128xf32, #tpu.memory_space<vmem>> -> memref<32x128xf32, #tpu.memory_space<vmem>>
      %dma_wait3A_601 = arith.constant 0 : i32
      %dma_wait3A_602 = arith.constant 0 : i32
      %dma_wait3A_603 = tpu.memref_slice %arg3[%dma_wait3A_601, %dma_wait3A_602] : memref<32x1000000xf32, #tpu.memory_space<hbm>> -> memref<32x128xf32, #tpu.memory_space<hbm>>
      tpu.wait_dma2 semaphore(%arg9 : memref<!tpu.dma_semaphore, #tpu.memory_space<semaphore_mem>>) src(%dma_wait3A_603 : memref<32x128xf32, #tpu.memory_space<hbm>>) dst(%dma_wait3A_600 : memref<32x128xf32, #tpu.memory_space<vmem>>)
      %dma_wait3A_604 = arith.constant 12 : i32
      %dma_wait3A_605 = arith.constant 0 : i32
      %dma_wait3A_606 = arith.constant 0 : i32
      %dma_wait3A_607 = tpu.memref_slice %arg6[%dma_wait3A_604, %dma_wait3A_605, %dma_wait3A_606] : memref<16x32x128xf32, #tpu.memory_space<vmem>> -> memref<1x32x128xf32, #tpu.memory_space<vmem>>
      %dma_wait3A_608 = tpu.memref_squeeze %dma_wait3A_607 : memref<1x32x128xf32, #tpu.memory_space<vmem>> -> memref<32x128xf32, #tpu.memory_space<vmem>>
      %dma_wait3A_609 = arith.constant 0 : i32
      %dma_wait3A_610 = arith.constant 0 : i32
      %dma_wait3A_611 = tpu.memref_slice %arg3[%dma_wait3A_609, %dma_wait3A_610] : memref<32x1000000xf32, #tpu.memory_space<hbm>> -> memref<32x128xf32, #tpu.memory_space<hbm>>
      %dma_wait3A_612 = arith.constant 0 : i32
      %dma_wait3A_613 = arith.constant 0 : i32
      %dma_wait3A_614 = tpu.memref_slice %arg6[%dma_wait3A_604, %dma_wait3A_612, %dma_wait3A_613] : memref<16x32x128xf32, #tpu.memory_space<vmem>> -> memref<1x32x128xf32, #tpu.memory_space<vmem>>
      %dma_wait3A_615 = tpu.memref_squeeze %dma_wait3A_614 : memref<1x32x128xf32, #tpu.memory_space<vmem>> -> memref<32x128xf32, #tpu.memory_space<vmem>>
      %dma_wait3A_616 = arith.constant 0 : i32
      %dma_wait3A_617 = arith.constant 0 : i32
      %dma_wait3A_618 = tpu.memref_slice %arg3[%dma_wait3A_616, %dma_wait3A_617] : memref<32x1000000xf32, #tpu.memory_space<hbm>> -> memref<32x128xf32, #tpu.memory_space<hbm>>
      tpu.wait_dma2 semaphore(%arg9 : memref<!tpu.dma_semaphore, #tpu.memory_space<semaphore_mem>>) src(%dma_wait3A_618 : memref<32x128xf32, #tpu.memory_space<hbm>>) dst(%dma_wait3A_615 : memref<32x128xf32, #tpu.memory_space<vmem>>)
      %dma_wait3A_619 = arith.constant 13 : i32
      %dma_wait3A_620 = arith.constant 0 : i32
      %dma_wait3A_621 = arith.constant 0 : i32
      %dma_wait3A_622 = tpu.memref_slice %arg6[%dma_wait3A_619, %dma_wait3A_620, %dma_wait3A_621] : memref<16x32x128xf32, #tpu.memory_space<vmem>> -> memref<1x32x128xf32, #tpu.memory_space<vmem>>
      %dma_wait3A_623 = tpu.memref_squeeze %dma_wait3A_622 : memref<1x32x128xf32, #tpu.memory_space<vmem>> -> memref<32x128xf32, #tpu.memory_space<vmem>>
      %dma_wait3A_624 = arith.constant 0 : i32
      %dma_wait3A_625 = arith.constant 0 : i32
      %dma_wait3A_626 = tpu.memref_slice %arg3[%dma_wait3A_624, %dma_wait3A_625] : memref<32x1000000xf32, #tpu.memory_space<hbm>> -> memref<32x128xf32, #tpu.memory_space<hbm>>
      %dma_wait3A_627 = arith.constant 0 : i32
      %dma_wait3A_628 = arith.constant 0 : i32
      %dma_wait3A_629 = tpu.memref_slice %arg6[%dma_wait3A_619, %dma_wait3A_627, %dma_wait3A_628] : memref<16x32x128xf32, #tpu.memory_space<vmem>> -> memref<1x32x128xf32, #tpu.memory_space<vmem>>
      %dma_wait3A_630 = tpu.memref_squeeze %dma_wait3A_629 : memref<1x32x128xf32, #tpu.memory_space<vmem>> -> memref<32x128xf32, #tpu.memory_space<vmem>>
      %dma_wait3A_631 = arith.constant 0 : i32
      %dma_wait3A_632 = arith.constant 0 : i32
      %dma_wait3A_633 = tpu.memref_slice %arg3[%dma_wait3A_631, %dma_wait3A_632] : memref<32x1000000xf32, #tpu.memory_space<hbm>> -> memref<32x128xf32, #tpu.memory_space<hbm>>
      tpu.wait_dma2 semaphore(%arg9 : memref<!tpu.dma_semaphore, #tpu.memory_space<semaphore_mem>>) src(%dma_wait3A_633 : memref<32x128xf32, #tpu.memory_space<hbm>>) dst(%dma_wait3A_630 : memref<32x128xf32, #tpu.memory_space<vmem>>)
      %dma_wait3A_634 = arith.constant 14 : i32
      %dma_wait3A_635 = arith.constant 0 : i32
      %dma_wait3A_636 = arith.constant 0 : i32
      %dma_wait3A_637 = tpu.memref_slice %arg6[%dma_wait3A_634, %dma_wait3A_635, %dma_wait3A_636] : memref<16x32x128xf32, #tpu.memory_space<vmem>> -> memref<1x32x128xf32, #tpu.memory_space<vmem>>
      %dma_wait3A_638 = tpu.memref_squeeze %dma_wait3A_637 : memref<1x32x128xf32, #tpu.memory_space<vmem>> -> memref<32x128xf32, #tpu.memory_space<vmem>>
      %dma_wait3A_639 = arith.constant 0 : i32
      %dma_wait3A_640 = arith.constant 0 : i32
      %dma_wait3A_641 = tpu.memref_slice %arg3[%dma_wait3A_639, %dma_wait3A_640] : memref<32x1000000xf32, #tpu.memory_space<hbm>> -> memref<32x128xf32, #tpu.memory_space<hbm>>
      %dma_wait3A_642 = arith.constant 0 : i32
      %dma_wait3A_643 = arith.constant 0 : i32
      %dma_wait3A_644 = tpu.memref_slice %arg6[%dma_wait3A_634, %dma_wait3A_642, %dma_wait3A_643] : memref<16x32x128xf32, #tpu.memory_space<vmem>> -> memref<1x32x128xf32, #tpu.memory_space<vmem>>
      %dma_wait3A_645 = tpu.memref_squeeze %dma_wait3A_644 : memref<1x32x128xf32, #tpu.memory_space<vmem>> -> memref<32x128xf32, #tpu.memory_space<vmem>>
      %dma_wait3A_646 = arith.constant 0 : i32
      %dma_wait3A_647 = arith.constant 0 : i32
      %dma_wait3A_648 = tpu.memref_slice %arg3[%dma_wait3A_646, %dma_wait3A_647] : memref<32x1000000xf32, #tpu.memory_space<hbm>> -> memref<32x128xf32, #tpu.memory_space<hbm>>
      tpu.wait_dma2 semaphore(%arg9 : memref<!tpu.dma_semaphore, #tpu.memory_space<semaphore_mem>>) src(%dma_wait3A_648 : memref<32x128xf32, #tpu.memory_space<hbm>>) dst(%dma_wait3A_645 : memref<32x128xf32, #tpu.memory_space<vmem>>)
      %dma_wait3A_649 = arith.constant 15 : i32
      %dma_wait3A_650 = arith.constant 0 : i32
      %dma_wait3A_651 = arith.constant 0 : i32
      %dma_wait3A_652 = tpu.memref_slice %arg6[%dma_wait3A_649, %dma_wait3A_650, %dma_wait3A_651] : memref<16x32x128xf32, #tpu.memory_space<vmem>> -> memref<1x32x128xf32, #tpu.memory_space<vmem>>
      %dma_wait3A_653 = tpu.memref_squeeze %dma_wait3A_652 : memref<1x32x128xf32, #tpu.memory_space<vmem>> -> memref<32x128xf32, #tpu.memory_space<vmem>>
      %dma_wait3A_654 = arith.constant 0 : i32
      %dma_wait3A_655 = arith.constant 0 : i32
      %dma_wait3A_656 = tpu.memref_slice %arg3[%dma_wait3A_654, %dma_wait3A_655] : memref<32x1000000xf32, #tpu.memory_space<hbm>> -> memref<32x128xf32, #tpu.memory_space<hbm>>
      %dma_wait3A_657 = arith.constant 0 : i32
      %dma_wait3A_658 = arith.constant 0 : i32
      %dma_wait3A_659 = tpu.memref_slice %arg6[%dma_wait3A_649, %dma_wait3A_657, %dma_wait3A_658] : memref<16x32x128xf32, #tpu.memory_space<vmem>> -> memref<1x32x128xf32, #tpu.memory_space<vmem>>
      %dma_wait3A_660 = tpu.memref_squeeze %dma_wait3A_659 : memref<1x32x128xf32, #tpu.memory_space<vmem>> -> memref<32x128xf32, #tpu.memory_space<vmem>>
      %dma_wait3A_661 = arith.constant 0 : i32
      %dma_wait3A_662 = arith.constant 0 : i32
      %dma_wait3A_663 = tpu.memref_slice %arg3[%dma_wait3A_661, %dma_wait3A_662] : memref<32x1000000xf32, #tpu.memory_space<hbm>> -> memref<32x128xf32, #tpu.memory_space<hbm>>
      tpu.wait_dma2 semaphore(%arg9 : memref<!tpu.dma_semaphore, #tpu.memory_space<semaphore_mem>>) src(%dma_wait3A_663 : memref<32x128xf32, #tpu.memory_space<hbm>>) dst(%dma_wait3A_660 : memref<32x128xf32, #tpu.memory_space<vmem>>)
      %slice3A_664 = vector.extract_strided_slice %and3A_168 {offsets = [8], sizes = [1], strides = [1]} : vector<16xi32> to vector<1xi32>
      %squeeze3A_665 = vector.extract %slice3A_664[0] : i32 from vector<1xi32>
      %mul3A_666 = arith.constant 2 : i32
      %mul3A_667 = arith.muli %add3A_157, %mul3A_666 : i32
      %mul3A_668 = arith.constant 8 : i32
      %mul3A_669 = arith.muli %mul3A_667, %mul3A_668 : i32
      %add3A_670 = arith.constant 8 : i32
      %add3A_671 = arith.addi %mul3A_669, %add3A_670 : i32
      %add3A_672 = arith.constant 0 : i32
      %add3A_673 = arith.addi %add3A_671, %add3A_672 : i32
      %broadcast_in_dim3A_674 = vector.broadcast %squeeze3A_665 : i32 to vector<16xi32>
      %broadcast_in_dim3A_675 = arith.constant 8 : i32
      %broadcast_in_dim3A_676 = vector.broadcast %broadcast_in_dim3A_675 : i32 to vector<16xi32>
      %broadcast_in_dim3A_677 = vector.broadcast %add3A_673 : i32 to vector<16xi32>
      %gather3A_678 = tpu.vector_load_idx %arg6[%broadcast_in_dim3A_676, %iota3A, %broadcast_in_dim3A_674] : memref<16x32x128xf32, #tpu.memory_space<vmem>>[vector<16xi32>, vector<16xi32>, vector<16xi32>], vector<16xf32>,
      %gather3A_679 = tpu.vector_load_idx %arg6[%broadcast_in_dim3A_676, %add3A_5, %broadcast_in_dim3A_674] : memref<16x32x128xf32, #tpu.memory_space<vmem>>[vector<16xi32>, vector<16xi32>, vector<16xi32>], vector<16xf32>,
      tpu.vector_store_idx %arg7[%iota3A, %broadcast_in_dim3A_677], %gather3A_678 : memref<32x512xf32, #tpu.memory_space<vmem>>[vector<16xi32>, vector<16xi32>], vector<16xf32>,
      tpu.vector_store_idx %arg7[%add3A_5, %broadcast_in_dim3A_677], %gather3A_679 : memref<32x512xf32, #tpu.memory_space<vmem>>[vector<16xi32>, vector<16xi32>], vector<16xf32>,
      %slice3A_680 = vector.extract_strided_slice %and3A_168 {offsets = [9], sizes = [1], strides = [1]} : vector<16xi32> to vector<1xi32>
      %squeeze3A_681 = vector.extract %slice3A_680[0] : i32 from vector<1xi32>
      %mul3A_682 = arith.constant 2 : i32
      %mul3A_683 = arith.muli %add3A_157, %mul3A_682 : i32
      %mul3A_684 = arith.constant 8 : i32
      %mul3A_685 = arith.muli %mul3A_683, %mul3A_684 : i32
      %add3A_686 = arith.constant 8 : i32
      %add3A_687 = arith.addi %mul3A_685, %add3A_686 : i32
      %add3A_688 = arith.constant 1 : i32
      %add3A_689 = arith.addi %add3A_687, %add3A_688 : i32
      %broadcast_in_dim3A_690 = vector.broadcast %squeeze3A_681 : i32 to vector<16xi32>
      %broadcast_in_dim3A_691 = arith.constant 9 : i32
      %broadcast_in_dim3A_692 = vector.broadcast %broadcast_in_dim3A_691 : i32 to vector<16xi32>
      %broadcast_in_dim3A_693 = vector.broadcast %add3A_689 : i32 to vector<16xi32>
      %gather3A_694 = tpu.vector_load_idx %arg6[%broadcast_in_dim3A_692, %iota3A, %broadcast_in_dim3A_690] : memref<16x32x128xf32, #tpu.memory_space<vmem>>[vector<16xi32>, vector<16xi32>, vector<16xi32>], vector<16xf32>,
      %gather3A_695 = tpu.vector_load_idx %arg6[%broadcast_in_dim3A_692, %add3A_5, %broadcast_in_dim3A_690] : memref<16x32x128xf32, #tpu.memory_space<vmem>>[vector<16xi32>, vector<16xi32>, vector<16xi32>], vector<16xf32>,
      tpu.vector_store_idx %arg7[%iota3A, %broadcast_in_dim3A_693], %gather3A_694 : memref<32x512xf32, #tpu.memory_space<vmem>>[vector<16xi32>, vector<16xi32>], vector<16xf32>,
      tpu.vector_store_idx %arg7[%add3A_5, %broadcast_in_dim3A_693], %gather3A_695 : memref<32x512xf32, #tpu.memory_space<vmem>>[vector<16xi32>, vector<16xi32>], vector<16xf32>,
      %slice3A_696 = vector.extract_strided_slice %and3A_168 {offsets = [10], sizes = [1], strides = [1]} : vector<16xi32> to vector<1xi32>
      %squeeze3A_697 = vector.extract %slice3A_696[0] : i32 from vector<1xi32>
      %mul3A_698 = arith.constant 2 : i32
      %mul3A_699 = arith.muli %add3A_157, %mul3A_698 : i32
      %mul3A_700 = arith.constant 8 : i32
      %mul3A_701 = arith.muli %mul3A_699, %mul3A_700 : i32
      %add3A_702 = arith.constant 8 : i32
      %add3A_703 = arith.addi %mul3A_701, %add3A_702 : i32
      %add3A_704 = arith.constant 2 : i32
      %add3A_705 = arith.addi %add3A_703, %add3A_704 : i32
      %broadcast_in_dim3A_706 = vector.broadcast %squeeze3A_697 : i32 to vector<16xi32>
      %broadcast_in_dim3A_707 = arith.constant 10 : i32
      %broadcast_in_dim3A_708 = vector.broadcast %broadcast_in_dim3A_707 : i32 to vector<16xi32>
      %broadcast_in_dim3A_709 = vector.broadcast %add3A_705 : i32 to vector<16xi32>
      %gather3A_710 = tpu.vector_load_idx %arg6[%broadcast_in_dim3A_708, %iota3A, %broadcast_in_dim3A_706] : memref<16x32x128xf32, #tpu.memory_space<vmem>>[vector<16xi32>, vector<16xi32>, vector<16xi32>], vector<16xf32>,
      %gather3A_711 = tpu.vector_load_idx %arg6[%broadcast_in_dim3A_708, %add3A_5, %broadcast_in_dim3A_706] : memref<16x32x128xf32, #tpu.memory_space<vmem>>[vector<16xi32>, vector<16xi32>, vector<16xi32>], vector<16xf32>,
      tpu.vector_store_idx %arg7[%iota3A, %broadcast_in_dim3A_709], %gather3A_710 : memref<32x512xf32, #tpu.memory_space<vmem>>[vector<16xi32>, vector<16xi32>], vector<16xf32>,
      tpu.vector_store_idx %arg7[%add3A_5, %broadcast_in_dim3A_709], %gather3A_711 : memref<32x512xf32, #tpu.memory_space<vmem>>[vector<16xi32>, vector<16xi32>], vector<16xf32>,
      %slice3A_712 = vector.extract_strided_slice %and3A_168 {offsets = [11], sizes = [1], strides = [1]} : vector<16xi32> to vector<1xi32>
      %squeeze3A_713 = vector.extract %slice3A_712[0] : i32 from vector<1xi32>
      %mul3A_714 = arith.constant 2 : i32
      %mul3A_715 = arith.muli %add3A_157, %mul3A_714 : i32
      %mul3A_716 = arith.constant 8 : i32
      %mul3A_717 = arith.muli %mul3A_715, %mul3A_716 : i32
      %add3A_718 = arith.constant 8 : i32
      %add3A_719 = arith.addi %mul3A_717, %add3A_718 : i32
      %add3A_720 = arith.constant 3 : i32
      %add3A_721 = arith.addi %add3A_719, %add3A_720 : i32
      %broadcast_in_dim3A_722 = vector.broadcast %squeeze3A_713 : i32 to vector<16xi32>
      %broadcast_in_dim3A_723 = arith.constant 11 : i32
      %broadcast_in_dim3A_724 = vector.broadcast %broadcast_in_dim3A_723 : i32 to vector<16xi32>
      %broadcast_in_dim3A_725 = vector.broadcast %add3A_721 : i32 to vector<16xi32>
      %gather3A_726 = tpu.vector_load_idx %arg6[%broadcast_in_dim3A_724, %iota3A, %broadcast_in_dim3A_722] : memref<16x32x128xf32, #tpu.memory_space<vmem>>[vector<16xi32>, vector<16xi32>, vector<16xi32>], vector<16xf32>,
      %gather3A_727 = tpu.vector_load_idx %arg6[%broadcast_in_dim3A_724, %add3A_5, %broadcast_in_dim3A_722] : memref<16x32x128xf32, #tpu.memory_space<vmem>>[vector<16xi32>, vector<16xi32>, vector<16xi32>], vector<16xf32>,
      tpu.vector_store_idx %arg7[%iota3A, %broadcast_in_dim3A_725], %gather3A_726 : memref<32x512xf32, #tpu.memory_space<vmem>>[vector<16xi32>, vector<16xi32>], vector<16xf32>,
      tpu.vector_store_idx %arg7[%add3A_5, %broadcast_in_dim3A_725], %gather3A_727 : memref<32x512xf32, #tpu.memory_space<vmem>>[vector<16xi32>, vector<16xi32>], vector<16xf32>,
      %slice3A_728 = vector.extract_strided_slice %and3A_168 {offsets = [12], sizes = [1], strides = [1]} : vector<16xi32> to vector<1xi32>
      %squeeze3A_729 = vector.extract %slice3A_728[0] : i32 from vector<1xi32>
      %mul3A_730 = arith.constant 2 : i32
      %mul3A_731 = arith.muli %add3A_157, %mul3A_730 : i32
      %mul3A_732 = arith.constant 8 : i32
      %mul3A_733 = arith.muli %mul3A_731, %mul3A_732 : i32
      %add3A_734 = arith.constant 8 : i32
      %add3A_735 = arith.addi %mul3A_733, %add3A_734 : i32
      %add3A_736 = arith.constant 4 : i32
      %add3A_737 = arith.addi %add3A_735, %add3A_736 : i32
      %broadcast_in_dim3A_738 = vector.broadcast %squeeze3A_729 : i32 to vector<16xi32>
      %broadcast_in_dim3A_739 = arith.constant 12 : i32
      %broadcast_in_dim3A_740 = vector.broadcast %broadcast_in_dim3A_739 : i32 to vector<16xi32>
      %broadcast_in_dim3A_741 = vector.broadcast %add3A_737 : i32 to vector<16xi32>
      %gather3A_742 = tpu.vector_load_idx %arg6[%broadcast_in_dim3A_740, %iota3A, %broadcast_in_dim3A_738] : memref<16x32x128xf32, #tpu.memory_space<vmem>>[vector<16xi32>, vector<16xi32>, vector<16xi32>], vector<16xf32>,
      %gather3A_743 = tpu.vector_load_idx %arg6[%broadcast_in_dim3A_740, %add3A_5, %broadcast_in_dim3A_738] : memref<16x32x128xf32, #tpu.memory_space<vmem>>[vector<16xi32>, vector<16xi32>, vector<16xi32>], vector<16xf32>,
      tpu.vector_store_idx %arg7[%iota3A, %broadcast_in_dim3A_741], %gather3A_742 : memref<32x512xf32, #tpu.memory_space<vmem>>[vector<16xi32>, vector<16xi32>], vector<16xf32>,
      tpu.vector_store_idx %arg7[%add3A_5, %broadcast_in_dim3A_741], %gather3A_743 : memref<32x512xf32, #tpu.memory_space<vmem>>[vector<16xi32>, vector<16xi32>], vector<16xf32>,
      %slice3A_744 = vector.extract_strided_slice %and3A_168 {offsets = [13], sizes = [1], strides = [1]} : vector<16xi32> to vector<1xi32>
      %squeeze3A_745 = vector.extract %slice3A_744[0] : i32 from vector<1xi32>
      %mul3A_746 = arith.constant 2 : i32
      %mul3A_747 = arith.muli %add3A_157, %mul3A_746 : i32
      %mul3A_748 = arith.constant 8 : i32
      %mul3A_749 = arith.muli %mul3A_747, %mul3A_748 : i32
      %add3A_750 = arith.constant 8 : i32
      %add3A_751 = arith.addi %mul3A_749, %add3A_750 : i32
      %add3A_752 = arith.constant 5 : i32
      %add3A_753 = arith.addi %add3A_751, %add3A_752 : i32
      %broadcast_in_dim3A_754 = vector.broadcast %squeeze3A_745 : i32 to vector<16xi32>
      %broadcast_in_dim3A_755 = arith.constant 13 : i32
      %broadcast_in_dim3A_756 = vector.broadcast %broadcast_in_dim3A_755 : i32 to vector<16xi32>
      %broadcast_in_dim3A_757 = vector.broadcast %add3A_753 : i32 to vector<16xi32>
      %gather3A_758 = tpu.vector_load_idx %arg6[%broadcast_in_dim3A_756, %iota3A, %broadcast_in_dim3A_754] : memref<16x32x128xf32, #tpu.memory_space<vmem>>[vector<16xi32>, vector<16xi32>, vector<16xi32>], vector<16xf32>,
      %gather3A_759 = tpu.vector_load_idx %arg6[%broadcast_in_dim3A_756, %add3A_5, %broadcast_in_dim3A_754] : memref<16x32x128xf32, #tpu.memory_space<vmem>>[vector<16xi32>, vector<16xi32>, vector<16xi32>], vector<16xf32>,
      tpu.vector_store_idx %arg7[%iota3A, %broadcast_in_dim3A_757], %gather3A_758 : memref<32x512xf32, #tpu.memory_space<vmem>>[vector<16xi32>, vector<16xi32>], vector<16xf32>,
      tpu.vector_store_idx %arg7[%add3A_5, %broadcast_in_dim3A_757], %gather3A_759 : memref<32x512xf32, #tpu.memory_space<vmem>>[vector<16xi32>, vector<16xi32>], vector<16xf32>,
      %slice3A_760 = vector.extract_strided_slice %and3A_168 {offsets = [14], sizes = [1], strides = [1]} : vector<16xi32> to vector<1xi32>
      %squeeze3A_761 = vector.extract %slice3A_760[0] : i32 from vector<1xi32>
      %mul3A_762 = arith.constant 2 : i32
      %mul3A_763 = arith.muli %add3A_157, %mul3A_762 : i32
      %mul3A_764 = arith.constant 8 : i32
      %mul3A_765 = arith.muli %mul3A_763, %mul3A_764 : i32
      %add3A_766 = arith.constant 8 : i32
      %add3A_767 = arith.addi %mul3A_765, %add3A_766 : i32
      %add3A_768 = arith.constant 6 : i32
      %add3A_769 = arith.addi %add3A_767, %add3A_768 : i32
      %broadcast_in_dim3A_770 = vector.broadcast %squeeze3A_761 : i32 to vector<16xi32>
      %broadcast_in_dim3A_771 = arith.constant 14 : i32
      %broadcast_in_dim3A_772 = vector.broadcast %broadcast_in_dim3A_771 : i32 to vector<16xi32>
      %broadcast_in_dim3A_773 = vector.broadcast %add3A_769 : i32 to vector<16xi32>
      %gather3A_774 = tpu.vector_load_idx %arg6[%broadcast_in_dim3A_772, %iota3A, %broadcast_in_dim3A_770] : memref<16x32x128xf32, #tpu.memory_space<vmem>>[vector<16xi32>, vector<16xi32>, vector<16xi32>], vector<16xf32>,
      %gather3A_775 = tpu.vector_load_idx %arg6[%broadcast_in_dim3A_772, %add3A_5, %broadcast_in_dim3A_770] : memref<16x32x128xf32, #tpu.memory_space<vmem>>[vector<16xi32>, vector<16xi32>, vector<16xi32>], vector<16xf32>,
      tpu.vector_store_idx %arg7[%iota3A, %broadcast_in_dim3A_773], %gather3A_774 : memref<32x512xf32, #tpu.memory_space<vmem>>[vector<16xi32>, vector<16xi32>], vector<16xf32>,
      tpu.vector_store_idx %arg7[%add3A_5, %broadcast_in_dim3A_773], %gather3A_775 : memref<32x512xf32, #tpu.memory_space<vmem>>[vector<16xi32>, vector<16xi32>], vector<16xf32>,
      %slice3A_776 = vector.extract_strided_slice %and3A_168 {offsets = [15], sizes = [1], strides = [1]} : vector<16xi32> to vector<1xi32>
      %squeeze3A_777 = vector.extract %slice3A_776[0] : i32 from vector<1xi32>
      %mul3A_778 = arith.constant 2 : i32
      %mul3A_779 = arith.muli %add3A_157, %mul3A_778 : i32
      %mul3A_780 = arith.constant 8 : i32
      %mul3A_781 = arith.muli %mul3A_779, %mul3A_780 : i32
      %add3A_782 = arith.constant 8 : i32
      %add3A_783 = arith.addi %mul3A_781, %add3A_782 : i32
      %add3A_784 = arith.constant 7 : i32
      %add3A_785 = arith.addi %add3A_783, %add3A_784 : i32
      %broadcast_in_dim3A_786 = vector.broadcast %squeeze3A_777 : i32 to vector<16xi32>
      %broadcast_in_dim3A_787 = arith.constant 15 : i32
      %broadcast_in_dim3A_788 = vector.broadcast %broadcast_in_dim3A_787 : i32 to vector<16xi32>
      %broadcast_in_dim3A_789 = vector.broadcast %add3A_785 : i32 to vector<16xi32>
      %gather3A_790 = tpu.vector_load_idx %arg6[%broadcast_in_dim3A_788, %iota3A, %broadcast_in_dim3A_786] : memref<16x32x128xf32, #tpu.memory_space<vmem>>[vector<16xi32>, vector<16xi32>, vector<16xi32>], vector<16xf32>,
      %gather3A_791 = tpu.vector_load_idx %arg6[%broadcast_in_dim3A_788, %add3A_5, %broadcast_in_dim3A_786] : memref<16x32x128xf32, #tpu.memory_space<vmem>>[vector<16xi32>, vector<16xi32>, vector<16xi32>], vector<16xf32>,
      tpu.vector_store_idx %arg7[%iota3A, %broadcast_in_dim3A_789], %gather3A_790 : memref<32x512xf32, #tpu.memory_space<vmem>>[vector<16xi32>, vector<16xi32>], vector<16xf32>,
      tpu.vector_store_idx %arg7[%add3A_5, %broadcast_in_dim3A_789], %gather3A_791 : memref<32x512xf32, #tpu.memory_space<vmem>>[vector<16xi32>, vector<16xi32>], vector<16xf32>,
    }
    %scan3A_152 = arith.constant 32 : i32
    "tpu.region"() ({
      %run_scoped3A = tpu.sem_alloc : memref<!tpu.dma_semaphore, #tpu.memory_space<semaphore_mem>>
      %dma_start3A_153 = arith.constant 0 : i32
      %dma_start3A_154 = tpu.memref_slice %arg4[%dma_start3A_153, %mul3A_2] : memref<32x16384xf32, #tpu.memory_space<hbm>> -> memref<32x512xf32, #tpu.memory_space<hbm>>
      %dma_start3A_155 = arith.constant 0 : i32
      %dma_start3A_156 = tpu.memref_slice %arg4[%dma_start3A_155, %mul3A_2] : memref<32x16384xf32, #tpu.memory_space<hbm>> -> memref<32x512xf32, #tpu.memory_space<hbm>>
      tpu.enqueue_dma source(%arg7 : memref<32x512xf32, #tpu.memory_space<vmem>>) target(%dma_start3A_156 : memref<32x512xf32, #tpu.memory_space<hbm>>) target_semaphore(%run_scoped3A : memref<!tpu.dma_semaphore, #tpu.memory_space<semaphore_mem>>)
      %dma_wait3A = arith.constant 0 : i32
      %dma_wait3A_157 = tpu.memref_slice %arg4[%dma_wait3A, %mul3A_2] : memref<32x16384xf32, #tpu.memory_space<hbm>> -> memref<32x512xf32, #tpu.memory_space<hbm>>
      %dma_wait3A_158 = arith.constant 0 : i32
      %dma_wait3A_159 = tpu.memref_slice %arg4[%dma_wait3A_158, %mul3A_2] : memref<32x16384xf32, #tpu.memory_space<hbm>> -> memref<32x512xf32, #tpu.memory_space<hbm>>
      tpu.wait_dma2 semaphore(%run_scoped3A : memref<!tpu.dma_semaphore, #tpu.memory_space<semaphore_mem>>) src(%arg7 : memref<32x512xf32, #tpu.memory_space<vmem>>) dst(%dma_wait3A_159 : memref<32x512xf32, #tpu.memory_space<hbm>>)
      tpu.yield
    }) : () -> ()
    return
  }
}

</mosaic_0001>

<sc_bundles>
// kernel: kernel.3.cloned.1.call-start
scs
__scs_entry_jumppad:
0x0: {  	(pc) =	sbr.rel $0x88, $3  }
0x1: {  	(tag) =	ssettag $0x0;
	lr =	simm.s32 $0x1  }
0x2: {  	[smem:$0x3F9F] =	sst lr;
	_ =	strace $0xD0000000  }
0x3: {  	_ = 	snop  }
0x4: {  	_ = 	snop  }
0x5: {  	_ = 	snop  }
0x6: {  	_ = 	snop  }
0x7: {  	_ = 	snop  }
__scs_overlays_trampoline_lowered:
0x8: {  	[smem:$0x3FAE] =	sst s0  }
0x9: {  	[smem:$0x3FAF] =	sst s1  }
0xa: {  	[smem:$0x3FB0] =	sst s2  }
0xb: {  	[smem:$0x3FB1] =	sst s3  }
0xc: {  	[smem:$0x3FB2] =	sst s4  }
0xd: {  	[smem:$0x3FB3] =	sst s5  }
0xe: {  	[smem:$0x3FB4] =	sst s6  }
0xf: {  	[smem:$0x3FB5] =	sst s7  }
0x10: {  	[smem:$0x3FB6] =	sst s8  }
0x11: {  	[smem:$0x3FB7] =	sst s9;
	s0 =	simm.s32 @!p0 $0x0  }
0x12: {  	s1 =	sld [smem:$0x3F9D];
	s0 =	simm.s32 @p0 $0x1  }
0x13: {  	[smem:$0x3FB8] =	sst s0;
	s0 =	simm.s32 @!p1 $0x0  }
0x14: {  	s2 =	sld [smem:$0x3F9C];
	s0 =	simm.s32 @p1 $0x1  }
0x15: {  	[smem:$0x3FB9] =	sst s0;
	s0 =	simm.s32 @!p2 $0x0  }
0x16: {  	s3 =	sld [smem:$0x3FDB];
	s0 =	simm.s32 @p2 $0x1  }
0x17: {  	s4 =	simm.s32 $0x1BF5;
	[smem:$0x3FBB] =	sst s0  }
0x18: {  	s0 =	sld [smem:$0x3F9E];
	_ =	swait.ge [sflag:s4], $0x0  }
0x19: {  	s7 =	sld [smem:$0x3F9F]  }
0x1a: {  	s8 =	sadd.s32 $0xFFFFE003, lr  }
0x1b: {  	s9 =	sadd.s32 $0xFFFFFEF7, lr;
	s5 =	simm.s32 $0xFFFFFFFF;
	p2 =	slt.u32 s8, $0xFFFFF086  }
0x1c: {  	p1 =	slt.u32 s9, $0xF7A;
	s5 =	simm.s32 @!p2 $0x0  }
0x1d: {  	s5 =	simm.s32 @p1 $0x1;
	p0 =	seq.s32 s7, s2  }
0x1e: {  	s7 =	smul.u32 @!p0 $0xF7A, s2;
	p2 =	seq.s32 @!p0 s5, $0x0  }
0x1f: {  	s9 =	smul.u32 $0xF7A, s1;
	s8 =	simm.s32 @!p0 $0x1BF5;
	p2 =	por !p2, p0  }
0x20: {  	[sflag:s8] =	ssyncset.s32 @!p0 $0xFFFFF086;
	s6 =	sadd.s32 @!p0 s3, s7;
	s7 =	simm.s32 @!p0 $0x108  }
0x21: {  	s3 =	sadd.s32 s3, s9;
	s6 =	sadd.s32 @!p0 $0x88, s6;
	s7 =	simm.s32 @p2 $0x1082  }
0x22: {  	[simem:s7], [sflag:s8] =	dma.local @!p0 [hbm:s6], $0xF7A  }
0x23: {  	s9 =	sor.u32 $0xD0000000, s2;
	s6 =	simm.s32 $0x108;
	_ =	swait.ge @!p0 [sflag:s8], $0x0  }
0x24: {  	s3 =	sadd.s32 $0x88, s3;
	s6 =	simm.s32 @!p1 $0x1082;
	[sflag:s4] =	ssyncset.s32 $0xFFFFF086  }
0x25: {  	[simem:s6], [sflag:s4] =	dma.local [hbm:s3], $0xF7A  }
0x26: {  	[smem:$0x3F9F] =	sst s1;
	(tag) =	ssettag s2;
	_ =	strace s9  }
0x27: {  	s1 =	sld [smem:$0x3FAF]  }
0x28: {  	s2 =	sld [smem:$0x3FB0]  }
0x29: {  	s4 =	sld [smem:$0x3FB2]  }
0x2a: {  	p0 =	seq.s32 s5, $0x0;
	s5 =	sld [smem:$0x3FB3]  }
0x2b: {  	s6 =	sld [smem:$0x3FB4]  }
0x2c: {  	s7 =	sld [smem:$0x3FB5]  }
0x2d: {  	s3 =	simm.s32 $0x108;
	s8 =	sld [smem:$0x3FB6]  }
0x2e: {  	s3 =	simm.s32 @!p0 $0x1082;
	s9 =	sld [smem:$0x3FB7]  }
0x2f: {  	lr =	sadd.s32 s0, s3;
	s0 =	sld [smem:$0x3FAE]  }
0x30: {  	s3 =	sld [smem:$0x3FB1]  }
0x31: {  	[smem:$0x3FBA] =	sst s10  }
0x32: {  	s10 =	sld [smem:$0x3FB8];
	_ =	sdelay $0x3  }
0x33: {  	p0 =	seq.s32 s10, $0x1;
	s10 =	sld [smem:$0x3FBA];
	_ =	sdelay $0x3  }
0x34: {  	[smem:$0x3FBA] =	sst s10  }
0x35: {  	s10 =	sld [smem:$0x3FB9];
	_ =	sdelay $0x3  }
0x36: {  	p1 =	seq.s32 s10, $0x1;
	s10 =	sld [smem:$0x3FBA];
	_ =	sdelay $0x3  }
0x37: {  	[smem:$0x3FBA] =	sst s10  }
0x38: {  	s10 =	sld [smem:$0x3FBB]  }
0x39: {  	_ = 	snop;
	(pc) =	sbr.ind lr, $3  }
0x3a: {  	_ = 	snop  }
0x3b: {  	_ = 	snop  }
0x3c: {  	p2 =	seq.s32 s10, $0x1;
	s10 =	sld [smem:$0x3FBA]  }
0x3d: {  	_ =	shalt  }
0x3e: {  	_ =	shalt  }
0x3f: {  	_ =	shalt  }
0x40: {  	_ =	shalt  }
0x41: {  	_ =	shalt  }
0x42: {  	_ =	shalt  }
0x43: {  	_ =	shalt  }
0x44: {  	_ =	shalt  }
0x45: {  	_ =	shalt  }
0x46: {  	_ =	shalt  }
0x47: {  	_ =	shalt  }
0x48: {  	_ =	shalt  }
0x49: {  	_ =	shalt  }
0x4a: {  	_ =	shalt  }
0x4b: {  	_ =	shalt  }
0x4c: {  	_ =	shalt  }
0x4d: {  	_ =	shalt  }
0x4e: {  	_ =	shalt  }
0x4f: {  	_ =	shalt  }
0x50: {  	_ =	shalt  }
0x51: {  	_ =	shalt  }
0x52: {  	_ =	shalt  }
0x53: {  	_ =	shalt  }
0x54: {  	_ =	shalt  }
0x55: {  	_ =	shalt  }
0x56: {  	_ =	shalt  }
0x57: {  	_ =	shalt  }
0x58: {  	_ =	shalt  }
0x59: {  	_ =	shalt  }
0x5a: {  	_ =	shalt  }
0x5b: {  	_ =	shalt  }
0x5c: {  	_ =	shalt  }
0x5d: {  	_ =	shalt  }
0x5e: {  	_ =	shalt  }
0x5f: {  	_ =	shalt  }
0x60: {  	_ =	shalt  }
0x61: {  	_ =	shalt  }
0x62: {  	_ =	shalt  }
0x63: {  	_ =	shalt  }
0x64: {  	_ =	shalt  }
0x65: {  	_ =	shalt  }
0x66: {  	_ =	shalt  }
0x67: {  	_ =	shalt  }
0x68: {  	_ =	shalt  }
0x69: {  	_ =	shalt  }
0x6a: {  	_ =	shalt  }
0x6b: {  	_ =	shalt  }
0x6c: {  	_ =	shalt  }
0x6d: {  	_ =	shalt  }
0x6e: {  	_ =	shalt  }
0x6f: {  	_ =	shalt  }
0x70: {  	_ =	shalt  }
0x71: {  	_ =	shalt  }
0x72: {  	_ =	shalt  }
0x73: {  	_ =	shalt  }
0x74: {  	_ =	shalt  }
0x75: {  	_ =	shalt  }
0x76: {  	_ =	shalt  }
0x77: {  	_ =	shalt  }
0x78: {  	_ =	shalt  }
0x79: {  	_ =	shalt  }
0x7a: {  	_ =	shalt  }
0x7b: {  	_ =	shalt  }
0x7c: {  	_ =	shalt  }
0x7d: {  	_ =	shalt  }
0x7e: {  	_ =	shalt  }
0x7f: {  	_ =	shalt  }
0x80: {  	_ =	shalt  }
0x81: {  	_ =	shalt  }
0x82: {  	_ =	shalt  }
0x83: {  	_ =	shalt  }
0x84: {  	_ =	shalt  }
0x85: {  	_ =	shalt  }
0x86: {  	_ =	shalt  }
0x87: {  	_ =	shalt  }
.Lfunc_end0:
.L_simem_size_0:
called_computation_lowered:
.L_overlay_start_0:
0x88: {  	s2 =	sld [smem:$0x3FD9]  }
0x89: {  	s3 =	sld [smem:$0x3FFE];
	_ =	sdelay $0x1  }
0x8a: {  	s1 =	srdreg.scid  }
0x8b: {  	s0 =	sand.u32 $0x1, s1  }
0x8c: {  	s17 =	sshll.u32 s0, $0xA;
	s2 =	sadd.s32 s3, s2  }
0x8d: {  	s2 =	sadd.s32 s2, s17  }
0x8e: {  	[smem:$0x3FC6] =	sst s2  }
0x8f: {  	_ = 	snop  }
0x90: {  	s2 =	sld [smem:$0x3FC8]  }
0x91: {  	s18 =	sld [smem:$0x3FD0];
	(tm) =	ssettm $0x1  }
0x92: {  	s4 =	sld [smem:$0x3FFB];
	_ =	sdelay $0x3  }
0x93: {  	_ =	strace s4  }
0x94: {  	s4 =	sld [smem:$0x3FFC];
	_ =	sdelay $0x3  }
0x95: {  	_ =	strace s4  }
0x96: {  	s4 =	sld [smem:$0x3FFD];
	_ =	sdelay $0x3  }
0x97: {  	_ =	strace s4  }
0x98: {  	_ =	strace $0x8FFFFFFF  }
0x99: {  	s19 =	sld [smem:$0x3FDB];
	_ =	sdelay $0x1  }
0x9a: {  	s5 =	simm.s32 $_scs_section_size  }
0x9b: {  	s6 =	simm.s32 $_size__tile_overlayer_lowered;
	s7 =	simm.s32 $_tile_overlayer_lowered  }
0x9c: {  	s22 =	simm.s32 $0x1BFF;
	s21 =	sshll.u32 s7, $0x1;
	s4 =	sadd.s32 s5, s19  }
0x9d: {  	s8 =	simm.s32 $0x0;
	s20 =	sshll.u32 s6, $0x1;
	s6 =	sadd.s32 s21, s4  }
0x9e: {  	[timem:s8], [sflag:s22] =	dma.local [hbm:s6], s20  }
0x9f: {  	_ =	swait.ge [sflag:s22], s20  }
0xa0: {  	s5 =	ssub.s32 $0x0, s20;
	[sflag:s22] =	ssyncset.done $0x0  }
0xa1: {  	[sflag:s22] =	ssyncadd.s32 s5;
	_ =	sdelay $0x1  }
0xa2: {  	s23 =	simm.s32 $0x1B8B  }
0xa3: {  	_ =	swait.ge [sflag:s23], $0x1  }
0xa4: {  	[sflag:s23] =	ssyncset.done $0x0  }
0xa5: {  	s25 =	simm.s32 $0x1B8E;
	s24 =	sld [smem:$0x3FFE];
	[sflag:s23] =	ssyncadd.s32 $0xFFFFFFFF  }
0xa6: {  	s26 =	simm.s32 $execute0_lowered;
	[smem:$0x3FD2] =	sst s25  }
0xa7: {  	s6 =	sshll.u32 s26, $0x1;
	_ =	strace $0x80000046;
	[dreg:$0x1] =	wrdreg $0xFFFFFFFF  }
0xa8: {  	s28 =	simm.s32 $_size_execute0_lowered;
	s4 =	sadd.s32 s4, s6;
	[dreg:$0x0] =	wrdreg $0x0  }
0xa9: {  	s6 =	sshll.u32 s28, $0x1;
	[dreg:$0x2] =	wrdreg s4  }
0xaa: {  	[dreg:$0x3] =	wrdreg s6  }
0xab: {  	[dreg:$0x4] =	wrdreg $0xC0  }
0xac: {  	_ =	task [dreg:s8], $0x5FFFF  }
0xad: {  	[dreg:$0x1] =	wrdreg $0xFFFFFFFF  }
0xae: {  	[dreg:$0x0] =	wrdreg $0x60  }
0xaf: {  	[dreg:$0x2] =	wrdreg s24  }
0xb0: {  	[dreg:$0x3] =	wrdreg s2  }
0xb1: {  	[dreg:$0x4] =	wrdreg s18  }
0xb2: {  	[dreg:$0x5] =	wrdreg $0x9  }
0xb3: {  	_ =	task.clear_ibuf [dreg:s8], $0x6FFFF;
	_ =	strace $0x90000046  }
0xb4: {  	s29 =	simm.s32 $0x9;
	_ =	strace $0x80000048  }
0xb5: {  	_ =	swait.ge [sflag:s29], $0x1  }
0xb6: {  	[sflag:s29] =	ssyncadd.s32 $0xFFFFFFFF  }
0xb7: {  	_ =	strace $0x90000048  }
0xb8: {  	_ =	sfence  }
0xb9: {  	s30 =	sld [smem:$0x0];
	_ =	sdelay $0x2  }
0xba: {  	s31 =	sshll.u32 s1, $0xD;
	s1 =	sshrl.u32 s1, $0x2  }
0xbb: {  	s3 =	sand.u32 $0x4000, s31;
	s1 =	sadd.s32 s1, s30  }
0xbc: {  	s0 =	sor.u32 s3, s0;
	s1 =	sshll.u32 s1, $0x11  }
0xbd: {  	s0 =	sor.u32 s1, s0  }
0xbe: {  	s0 =	sadd.s32 $0x8F2B, s0  }
0xbf: {  	[sflag:s0] =	ssyncadd.remote.s32 $0x1  }
0xc0: {  	_ =	sfence.sel $0xFFFF  }
0xc1: {  	[dreg:$0x0] =	wrdreg $0xFFFFFFFF;
	(pc) =	sbr.abs _section_cstart, $3  }
0xc2: {  	[dreg:$0x1] =	wrdreg $0xFFFFFFFF  }
0xc3: {  	_ =	task.clear_ibuf [dreg:s8], $0x2FFFF;
	_ =	strace $0x9FFFFFFF  }
0xc4: {  	(tm) =	ssettm $0x7FFFFFFF  }
0xc5: {  	_ =	shalt  }
tec
execute0_lowered:
.L_overlay_start_1:
0x0: {  	(tag) =	ssettag $0x1  }
0x1: {  	v0 =	vlaneseq.u32;
	v1 =	vimm.s32 $0x1380  }
0x2: {  	vm0 =	vcmask $0x300;
	v2 =	vimm.s32 $0x3380;
	vm1 =	vcmask $0x704  }
0x3: {  	vm15 =	vcmask $0xB08;
	vm4 =	vcmask $0xF0C;
	vm5 =	vcmask $0x1310  }
0x4: {  	vm6 =	vcmask $0x1714;
	vm7 =	vcmask $0x1B18;
	vm8 =	vcmask $0x1F1C  }
0x5: {  	vm9 =	vcmask $0x2320;
	vm10 =	vcmask $0x2724;
	vm11 =	vcmask $0x2B28  }
0x6: {  	vm12 =	vcmask $0x2F2C;
	vm13 =	vcmask $0x3330;
	v1 =	vsel vm0, $0x0, v1  }
0x7: {  	v0 =	vmul.u32 $0x80, v0;
	v2 =	vsel vm0, $0x2000, v2;
	v1 =	vsel vm1, $0x80, v1  }
0x8: {  	vm14 =	vcmask $0x3734;
	v2 =	vsel vm1, $0x2080, v2;
	v1 =	vsel vm15, $0x100, v1  }
0x9: {  	v2 =	vsel vm15, $0x2100, v2;
	vm15 =	vcmask $0x3B38;
	v5 =	vor.u32 $0x1800, v0  }
0xa: {  	s1 =	srdreg.scid;
	s5 =	rddreg [dreg:$0x0];
	v6 =	vor.u32 $0x2000, v0;
	v7 =	vor.u32 $0x2800, v0;
	v8 =	vor.u32 $0x3000, v0  }
0xb: {  	s0 =	stileid.u32;
	s7 =	rddreg [dreg:$0x2];
	s30 =	simm.s32 $0x0;
	v9 =	vor.u32 $0x3800, v0;
	v10 =	vor.u32 $0x4000, v0;
	v11 =	vor.u32 $0x4800, v0  }
0xc: {  	s9 =	simm.s32 $0x3;
	s11 =	simm.s32 $0x8200;
	s10 =	simm.s32 $0x7A1400;
	v12 =	vor.u32 $0x5000, v0;
	v13 =	vor.u32 $0x5800, v0;
	v14 =	vor.u32 $0x6000, v0  }
0xd: {  	s12 =	simm.s32 $0x9200;
	s13 =	simm.s32 $0xA200;
	s14 =	simm.s32 $0xB200;
	v15 =	vor.u32 $0x6800, v0;
	v16 =	vor.u32 $0x7000, v0;
	v17 =	vor.u32 $0x7800, v0  }
0xe: {  	s15 =	simm.s32 $0xC200;
	s16 =	simm.s32 $0xD200;
	s17 =	simm.s32 $0xE200;
	v18 =	vor.u32 $0x8000, v0;
	v19 =	vor.u32 $0x8800, v0;
	v20 =	vor.u32 $0x9000, v0  }
0xf: {  	s19 =	simm.s32 $0xF200;
	s18 =	simm.s32 $0x7200;
	s20 =	simm.s32 $0x10200;
	v21 =	vor.u32 $0x9800, v0;
	v22 =	vor.u32 $0xA000, v0;
	v23 =	vor.u32 $0xA800, v0  }
0x10: {  	s21 =	simm.s32 $0x2;
	s4 =	sand.u32 $0x1, s1;
	s1 =	rddreg [dreg:$0x1];
	v24 =	vor.u32 $0xB000, v0;
	v1 =	vsel vm4, $0x180, v1;
	v2 =	vsel vm4, $0x2180, v2  }
0x11: {  	s22 =	simm.s32 $0x1000;
	s23 =	simm.s32 $0x20000;
	[smem:$0x7FF] =	sst s30;
	v25 =	vor.u32 $0xB800, v0;
	v1 =	vsel vm5, $0x200, v1;
	v2 =	vsel vm5, $0x2200, v2  }
0x12: {  	s29 =	sshll.u32 s0, $0x1;
	_ =	strace $0x80000047;
	[dreg:$0x4] =	wrdreg s11;
	v26 =	vor.u32 $0xC000, v0;
	v1 =	vsel vm6, $0x280, v1;
	v2 =	vsel vm6, $0x2280, v2  }
0x13: {  	s24 =	simm.s32 $0x0;
	s2 =	sor.u32 s4, s29;
	[dreg:$0x5] =	wrdreg s12;
	v27 =	vor.u32 $0xC800, v0;
	v1 =	vsel vm7, $0x300, v1;
	v2 =	vsel vm7, $0x2300, v2  }
0x14: {  	s4 =	ssub.s32 $0x2, s4;
	s11 =	simm.s32 $0x200;
	[dreg:$0x6] =	wrdreg s13;
	v28 =	vor.u32 $0xD000, v0;
	v1 =	vsel vm8, $0x380, v1;
	v2 =	vsel vm8, $0x2380, v2  }
0x15: {  	[dreg:$0x7] =	wrdreg s14;
	s6 =	sshll.u32 s2, $0x9;
	s2 =	sshll.u32 s2, $0x7;
	v29 =	vor.u32 $0xD800, v0;
	v1 =	vsel vm9, $0x1000, v1;
	v2 =	vsel vm9, $0x3000, v2  }
0x16: {  	[dreg:$0x8] =	wrdreg s15;
	v30 =	vor.u32 $0xE000, v0;
	s3 =	sand.u32 $0x3000, s6;
	s8 =	sand.u32 $0x380, s2;
	v1 =	vsel vm10, $0x1080, v1;
	v2 =	vsel vm10, $0x3080, v2  }
0x17: {  	[dreg:$0x9] =	wrdreg s16;
	s16 =	simm.s32 $0x5200;
	v31 =	vor.u32 $0xE800, v0;
	s8 =	sor.u32 s8, s3;
	v1 =	vsel vm11, $0x1100, v1;
	v2 =	vsel vm11, $0x3100, v2  }
0x18: {  	[dreg:$0xa] =	wrdreg s17;
	s17 =	simm.s32 $0x6200;
	v32 =	vor.u32 $0xF000, v0;
	s8 =	sshrl.u32 s8, $0x3;
	v1 =	vsel vm12, $0x1180, v1;
	v2 =	vsel vm12, $0x3180, v2  }
0x19: {  	[dreg:$0xb] =	wrdreg s19;
	s31 =	sshrl.u32 s4, $0x1;
	v33 =	vor.u32 $0xF800, v0;
	s5 =	sadd.s32 s8, s5;
	v1 =	vsel vm13, $0x1200, v1;
	v2 =	vsel vm13, $0x3200, v2  }
0x1a: {  	s19 =	simm.s32 $0x1;
	s8 =	ssub.s32 s4, s31;
	s4 =	sadd.s32 $0x400, s5;
	v3 =	vsel vm14, $0x1280, v1;
	v4 =	vsel vm14, $0x3280, v2;
	v1 =	vor.u32 $0x800, v0  }
0x1b: {  	s5 =	sadd.s32 s7, s6;
	s6 =	smax.u32 s8, $0x1;
	s8 =	simm.s32 $0x400;
	v2 =	vsel vm15, $0x1300, v3;
	v3 =	vsel vm15, $0x3300, v4;
	v4 =	vor.u32 $0x1000, v0  }
.LBB2_1:
0x1c: {  	s0 =	simm.s32 $0x0;
	s2 =	simm.s32 $0x80  }
0x1d: {  	[tilespmem:s0], [sflag:$0x3] =	stream.strided.gather [hbm4b:s4+s2], $0x200, s8, s2, $0x38;
	[tilespmem:$0x14200] =	vst v63  }
0x1e: {  	_ =	swait.ge [sflag:s9], $0x200  }
0x1f: {  	[sflag:s9] =	ssyncset.done $0x0  }
0x20: {  	[sflag:s9] =	ssyncadd.s32 $0xFFFFFE00  }
0x21: {  	v34 =	vld [tilespmem:$0x0];
	_ =	sdelay $0x4  }
0x22: {  	v34 =	vshrl.u32 v34, $0x7  }
0x23: {  	v34 =	vshll.u32 v34, $0x7  }
0x24: {  	(v2sf) =	vpush v34, $0x0;
	_ =	sdelay $0x3  }
0x25: {  	(v2sf) =	vpush v34, $0x1;
	_ =	sdelay $0x2  }
0x26: {  	(v2sf) =	vpush v34, $0x2;
	_ =	sdelay $0x2  }
0x27: {  	(v2sf) =	vpush v34, $0x3;
	_ =	sdelay $0x4  }
0x28: {  	s25 =	spop (v2sf);
	(v2sf) =	vpush v34, $0x4;
	_ =	sdelay $0x1  }
0x29: {  	(v2sf) =	vpush v34, $0x5  }
0x2a: {  	s25 =	sand.u32 $0x1FFFFF80, s25  }
0x2b: {  	s13 =	spop (v2sf);
	s25 =	sadd.s32 s1, s25  }
0x2c: {  	(v2sf) =	vpush v34, $0x6;
	[tilespmem:s11], [sflag:$0x1] =	stream.strided.gather [hbm4b:s25+s8], $0x1000, s10, s8, $0x38;
	[tilespmem:$0x14200] =	vst v63  }
0x2d: {  	s25 =	sand.u32 $0x1FFFFF80, s13  }
0x2e: {  	s14 =	simm.s32 $0x1200;
	s15 =	spop (v2sf);
	s25 =	sadd.s32 s1, s25  }
0x2f: {  	(v2sf) =	vpush v34, $0x7;
	[tilespmem:s14], [sflag:$0x1] =	stream.strided.gather [hbm4b:s25+s8], $0x1000, s10, s8, $0x38;
	[tilespmem:$0x14200] =	vst v63  }
0x30: {  	s25 =	sand.u32 $0x1FFFFF80, s15  }
0x31: {  	s26 =	simm.s32 $0x2200;
	s28 =	spop (v2sf);
	s25 =	sadd.s32 s1, s25  }
0x32: {  	[tilespmem:s26], [sflag:$0x1] =	stream.strided.gather [hbm4b:s25+s8], $0x1000, s10, s8, $0x38;
	[tilespmem:$0x14200] =	vst v63  }
0x33: {  	s25 =	sand.u32 $0x1FFFFF80, s28  }
0x34: {  	s29 =	simm.s32 $0x3200;
	s25 =	sadd.s32 s1, s25  }
0x35: {  	[tilespmem:s29], [sflag:$0x1] =	stream.strided.gather [hbm4b:s25+s8], $0x1000, s10, s8, $0x38;
	[tilespmem:$0x14200] =	vst v63  }
0x36: {  	s30 =	spop (v2sf)  }
0x37: {  	s25 =	sand.u32 $0x1FFFFF80, s30  }
0x38: {  	s31 =	simm.s32 $0x4200;
	s2 =	spop (v2sf);
	s25 =	sadd.s32 s1, s25  }
0x39: {  	[tilespmem:s31], [sflag:$0x1] =	stream.strided.gather [hbm4b:s25+s8], $0x1000, s10, s8, $0x38;
	[tilespmem:$0x14200] =	vst v63  }
0x3a: {  	s25 =	sand.u32 $0x1FFFFF80, s2  }
0x3b: {  	s3 =	spop (v2sf);
	s25 =	sadd.s32 s1, s25  }
0x3c: {  	[tilespmem:s16], [sflag:$0x1] =	stream.strided.gather [hbm4b:s25+s8], $0x1000, s10, s8, $0x38;
	[tilespmem:$0x14200] =	vst v63  }
0x3d: {  	s25 =	sand.u32 $0x1FFFFF80, s3  }
0x3e: {  	s7 =	spop (v2sf);
	s25 =	sadd.s32 s1, s25  }
0x3f: {  	[tilespmem:s17], [sflag:$0x1] =	stream.strided.gather [hbm4b:s25+s8], $0x1000, s10, s8, $0x38;
	[tilespmem:$0x14200] =	vst v63  }
0x40: {  	s25 =	sand.u32 $0x1FFFFF80, s7  }
0x41: {  	s25 =	sadd.s32 s1, s25  }
0x42: {  	[tilespmem:s18], [sflag:$0x1] =	stream.strided.gather [hbm4b:s25+s8], $0x1000, s10, s8, $0x38;
	[tilespmem:$0x14200] =	vst v63  }
0x43: {  	s25 =	simm.s32 $0x10  }
0x44: {  	v54 =	vld [tilespmem:s25+$0xFFFFFFF0];
	_ =	sdelay $0x4  }
0x45: {  	v35 =	vshrl.u32 v54, $0x7  }
0x46: {  	v35 =	vshll.u32 v35, $0x7  }
0x47: {  	(v2sf) =	vpush v35, $0x8;
	_ =	sdelay $0x1  }
0x48: {  	(v2sf) =	vpush v35, $0x9  }
0x49: {  	(v2sf) =	vpush v35, $0xA;
	_ =	sdelay $0x1  }
0x4a: {  	(v2sf) =	vpush v35, $0xB;
	_ =	sdelay $0x1  }
0x4b: {  	(v2sf) =	vpush v35, $0xC;
	_ =	sdelay $0x1  }
0x4c: {  	(v2sf) =	vpush v35, $0xD;
	_ =	sdelay $0x1  }
0x4d: {  	(v2sf) =	vpush v35, $0xE;
	_ =	sdelay $0x1  }
0x4e: {  	s12 =	rddreg [dreg:$0x6]  }
0x4f: {  	s15 =	rddreg [dreg:$0x7]  }
0x50: {  	s26 =	rddreg [dreg:$0x4];
	s28 =	spop (v2sf);
	(v2sf) =	vpush v35, $0xF  }
0x51: {  	s30 =	rddreg [dreg:$0x5]  }
0x52: {  	s31 =	rddreg [dreg:$0x8];
	s28 =	sand.u32 $0x1FFFFF80, s28;
	s29 =	spop (v2sf)  }
0x53: {  	s28 =	sadd.s32 s1, s28;
	s29 =	sand.u32 $0x1FFFFF80, s29;
	s13 =	spop (v2sf)  }
0x54: {  	[tilespmem:s26], [sflag:$0x2] =	stream.strided.gather [hbm4b:s28+s8], $0x1000, s10, s8, $0x38;
	[tilespmem:$0x14200] =	vst v63  }
0x55: {  	s29 =	sadd.s32 s1, s29;
	s28 =	sand.u32 $0x1FFFFF80, s13;
	s14 =	spop (v2sf)  }
0x56: {  	[tilespmem:s30], [sflag:$0x2] =	stream.strided.gather [hbm4b:s29+s8], $0x1000, s10, s8, $0x38;
	[tilespmem:$0x14200] =	vst v63  }
0x57: {  	s28 =	sadd.s32 s1, s28;
	s0 =	spop (v2sf);
	s29 =	sand.u32 $0x1FFFFF80, s14  }
0x58: {  	[tilespmem:s12], [sflag:$0x2] =	stream.strided.gather [hbm4b:s28+s8], $0x1000, s10, s8, $0x38;
	[tilespmem:$0x14200] =	vst v63  }
0x59: {  	s2 =	spop (v2sf);
	s29 =	sadd.s32 s1, s29;
	s28 =	sand.u32 $0x1FFFFF80, s0  }
0x5a: {  	[tilespmem:s15], [sflag:$0x2] =	stream.strided.gather [hbm4b:s29+s8], $0x1000, s10, s8, $0x38;
	[tilespmem:$0x14200] =	vst v63  }
0x5b: {  	s12 =	spop (v2sf);
	s28 =	sadd.s32 s1, s28;
	s29 =	sand.u32 $0x1FFFFF80, s2  }
0x5c: {  	[tilespmem:s31], [sflag:$0x2] =	stream.strided.gather [hbm4b:s28+s8], $0x1000, s10, s8, $0x38;
	[tilespmem:$0x14200] =	vst v63  }
0x5d: {  	s3 =	rddreg [dreg:$0x9];
	s29 =	sadd.s32 s1, s29;
	s28 =	sand.u32 $0x1FFFFF80, s12  }
0x5e: {  	[tilespmem:s3], [sflag:$0x2] =	stream.strided.gather [hbm4b:s29+s8], $0x1000, s10, s8, $0x38;
	[tilespmem:$0x14200] =	vst v63  }
0x5f: {  	s7 =	rddreg [dreg:$0xa];
	s28 =	sadd.s32 s1, s28;
	s13 =	spop (v2sf)  }
0x60: {  	[tilespmem:s7], [sflag:$0x2] =	stream.strided.gather [hbm4b:s28+s8], $0x1000, s10, s8, $0x38;
	[tilespmem:$0x14200] =	vst v63  }
0x61: {  	s29 =	sand.u32 $0x1FFFFF80, s13  }
0x62: {  	s14 =	rddreg [dreg:$0xb];
	s15 =	sadd.s32 s1, s29  }
0x63: {  	[tilespmem:s14], [sflag:$0x2] =	stream.strided.gather [hbm4b:s15+s8], $0x1000, s10, s8, $0x38;
	[tilespmem:$0x14200] =	vst v63  }
0x64: {  	_ =	swait.ge [sflag:s19], $0x1000  }
0x65: {  	[sflag:s19] =	ssyncset.done $0x0  }
0x66: {  	[sflag:s19] =	ssyncadd.s32 $0xFFFFF000  }
0x67: {  	_ =	swait.ge [sflag:s19], $0x1000  }
0x68: {  	[sflag:s19] =	ssyncset.done $0x0  }
0x69: {  	[sflag:s19] =	ssyncadd.s32 $0xFFFFF000  }
0x6a: {  	_ =	swait.ge [sflag:s19], $0x1000  }
0x6b: {  	[sflag:s19] =	ssyncset.done $0x0  }
0x6c: {  	[sflag:s19] =	ssyncadd.s32 $0xFFFFF000  }
0x6d: {  	_ =	swait.ge [sflag:s19], $0x1000  }
0x6e: {  	[sflag:s19] =	ssyncset.done $0x0  }
0x6f: {  	[sflag:s19] =	ssyncadd.s32 $0xFFFFF000  }
0x70: {  	_ =	swait.ge [sflag:s19], $0x1000  }
0x71: {  	[sflag:s19] =	ssyncset.done $0x0  }
0x72: {  	[sflag:s19] =	ssyncadd.s32 $0xFFFFF000  }
0x73: {  	_ =	swait.ge [sflag:s19], $0x1000  }
0x74: {  	v34 =	vand.u32 $0x7F, v54;
	[sflag:s19] =	ssyncset.done $0x0  }
0x75: {  	v55 =	vbroadcast v34, $0x0;
	[sflag:s19] =	ssyncadd.s32 $0xFFFFF000  }
0x76: {  	_ =	swait.ge [sflag:s19], $0x1000  }
0x77: {  	v36 =	vor.u32 v0, v55;
	s28 =	simm.s32 $0x0;
	[sflag:s19] =	ssyncset.done $0x0  }
0x78: {  	v35 =	vor.u32 v1, v55;
	v37 =	vmov s28;
	[sflag:s19] =	ssyncadd.s32 $0xFFFFF000  }
0x79: {  	v38 =	vshll.u32 v37, $0x3;
	_ =	swait.ge [sflag:s19], $0x1000  }
0x7a: {  	v37 =	vand.u32 $0x70, v37;
	v38 =	vand.u32 $0xC00, v38;
	[sflag:s19] =	ssyncset.done $0x0  }
0x7b: {  	v37 =	vor.u32 v37, v38;
	[sflag:s19] =	ssyncadd.s32 $0xFFFFF000  }
0x7c: {  	v56 =	vbroadcast v34, $0x1;
	v39 =	vor.u32 v2, v37;
	v36 =	vld.idx.msk [tilespmem:v36+s11+$0x0], $0xffff  }
0x7d: {  	v37 =	vor.u32 v3, v37;
	v35 =	vld.idx.msk [tilespmem:v35+s11+$0x0], $0xffff  }
0x7e: {  	v40 =	vor.u32 v4, v56;
	s29 =	simm.s32 $0x1  }
0x7f: {  	v41 =	vmov s29;
	v38 =	vor.u32 v5, v56  }
0x80: {  	v42 =	vshll.u32 v41, $0x3  }
0x81: {  	v57 =	vand.u32 $0x71, v41;
	v58 =	vand.u32 $0xC00, v42;
	[tilespmem:v39+s20+$0x0] =	vst.idx.msk $0xffff, v36  }
0x82: {  	v59 =	vor.u32 v57, v58;
	[tilespmem:v37+s20+$0x0] =	vst.idx.msk $0xffff, v35  }
0x83: {  	v60 =	vbroadcast v34, $0x2;
	v39 =	vor.u32 v2, v59;
	v37 =	vld.idx.msk [tilespmem:v40+s11+$0x0], $0xffff  }
0x84: {  	v35 =	vor.u32 v3, v59;
	v38 =	vld.idx.msk [tilespmem:v38+s11+$0x0], $0xffff  }
0x85: {  	v61 =	vor.u32 v6, v60;
	s30 =	simm.s32 $0x2  }
0x86: {  	v62 =	vmov s30;
	v36 =	vor.u32 v7, v60  }
0x87: {  	v63 =	vshll.u32 v62, $0x3  }
0x88: {  	v44 =	vand.u32 $0x72, v62;
	v45 =	vand.u32 $0xC00, v63;
	[tilespmem:v39+s20+$0x0] =	vst.idx.msk $0xffff, v37  }
0x89: {  	v46 =	vor.u32 v44, v45;
	[tilespmem:v35+s20+$0x0] =	vst.idx.msk $0xffff, v38  }
0x8a: {  	v47 =	vbroadcast v34, $0x3;
	v39 =	vor.u32 v2, v46;
	v38 =	vld.idx.msk [tilespmem:v61+s11+$0x0], $0xffff  }
0x8b: {  	v35 =	vor.u32 v3, v46;
	v36 =	vld.idx.msk [tilespmem:v36+s11+$0x0], $0xffff  }
0x8c: {  	v48 =	vor.u32 v8, v47;
	s31 =	simm.s32 $0x3  }
0x8d: {  	v49 =	vmov s31;
	v37 =	vor.u32 v9, v47  }
0x8e: {  	v50 =	vshll.u32 v49, $0x3  }
0x8f: {  	v51 =	vand.u32 $0x73, v49;
	v52 =	vand.u32 $0xC00, v50;
	[tilespmem:v39+s20+$0x0] =	vst.idx.msk $0xffff, v38  }
0x90: {  	v53 =	vor.u32 v51, v52;
	[tilespmem:v35+s20+$0x0] =	vst.idx.msk $0xffff, v36  }
0x91: {  	v54 =	vbroadcast v34, $0x4;
	v39 =	vor.u32 v2, v53;
	v55 =	vld.idx.msk [tilespmem:v48+s11+$0x0], $0xffff  }
0x92: {  	v35 =	vor.u32 v3, v53;
	v37 =	vld.idx.msk [tilespmem:v37+s11+$0x0], $0xffff  }
0x93: {  	s0 =	simm.s32 $0x4;
	v56 =	vor.u32 v10, v54  }
0x94: {  	v57 =	vmov s0;
	v36 =	vor.u32 v11, v54  }
0x95: {  	v58 =	vshll.u32 v57, $0x3  }
0x96: {  	v60 =	vand.u32 $0xC00, v58;
	v59 =	vand.u32 $0x74, v57;
	[tilespmem:v39+s20+$0x0] =	vst.idx.msk $0xffff, v55  }
0x97: {  	v61 =	vor.u32 v59, v60;
	[tilespmem:v35+s20+$0x0] =	vst.idx.msk $0xffff, v37  }
0x98: {  	v62 =	vbroadcast v34, $0x5;
	v39 =	vor.u32 v2, v61;
	v63 =	vld.idx.msk [tilespmem:v56+s11+$0x0], $0xffff  }
0x99: {  	v35 =	vor.u32 v3, v61;
	v36 =	vld.idx.msk [tilespmem:v36+s11+$0x0], $0xffff  }
0x9a: {  	v45 =	vor.u32 v12, v62;
	s2 =	simm.s32 $0x5  }
0x9b: {  	v46 =	vmov s2;
	v37 =	vor.u32 v13, v62  }
0x9c: {  	v47 =	vshll.u32 v46, $0x3  }
0x9d: {  	v49 =	vand.u32 $0xC00, v47;
	v48 =	vand.u32 $0x75, v46;
	[tilespmem:v39+s20+$0x0] =	vst.idx.msk $0xffff, v63  }
0x9e: {  	v50 =	vor.u32 v48, v49;
	[tilespmem:v35+s20+$0x0] =	vst.idx.msk $0xffff, v36  }
0x9f: {  	v51 =	vbroadcast v34, $0x6;
	v39 =	vor.u32 v2, v50;
	v52 =	vld.idx.msk [tilespmem:v45+s11+$0x0], $0xffff  }
0xa0: {  	v35 =	vor.u32 v3, v50;
	v37 =	vld.idx.msk [tilespmem:v37+s11+$0x0], $0xffff  }
0xa1: {  	s3 =	simm.s32 $0x6;
	v53 =	vor.u32 v14, v51  }
0xa2: {  	v54 =	vmov s3;
	v36 =	vor.u32 v15, v51  }
0xa3: {  	v55 =	vshll.u32 v54, $0x3  }
0xa4: {  	v57 =	vand.u32 $0xC00, v55;
	v56 =	vand.u32 $0x76, v54;
	[tilespmem:v39+s20+$0x0] =	vst.idx.msk $0xffff, v52  }
0xa5: {  	v58 =	vor.u32 v56, v57;
	[tilespmem:v35+s20+$0x0] =	vst.idx.msk $0xffff, v37  }
0xa6: {  	v59 =	vbroadcast v34, $0x7;
	v39 =	vor.u32 v2, v58;
	v60 =	vld.idx.msk [tilespmem:v53+s11+$0x0], $0xffff  }
0xa7: {  	v35 =	vor.u32 v3, v58;
	v36 =	vld.idx.msk [tilespmem:v36+s11+$0x0], $0xffff  }
0xa8: {  	s7 =	simm.s32 $0x7;
	v61 =	vor.u32 v16, v59  }
0xa9: {  	v62 =	vmov s7;
	v37 =	vor.u32 v17, v59  }
0xaa: {  	v63 =	vshll.u32 v62, $0x3  }
0xab: {  	v46 =	vand.u32 $0xC00, v63;
	v45 =	vand.u32 $0x77, v62;
	[tilespmem:v39+s20+$0x0] =	vst.idx.msk $0xffff, v60  }
0xac: {  	v47 =	vor.u32 v45, v46;
	[tilespmem:v35+s20+$0x0] =	vst.idx.msk $0xffff, v36  }
0xad: {  	v38 =	vor.u32 v2, v47;
	v36 =	vld.idx.msk [tilespmem:v61+s11+$0x0], $0xffff  }
0xae: {  	v35 =	vor.u32 v3, v47;
	v37 =	vld.idx.msk [tilespmem:v37+s11+$0x0], $0xffff;
	_ =	sdelay $0x3  }
0xaf: {  	[tilespmem:v38+s20+$0x0] =	vst.idx.msk $0xffff, v36  }
0xb0: {  	p0 =	por $0x0, $0x0;
	[tilespmem:v35+s20+$0x0] =	vst.idx.msk $0xffff, v37  }
0xb1: {  	v35 =	vld @!p0 [tilespmem:s25+$0x0];
	_ =	sdelay $0x4  }
0xb2: {  	v35 =	vshrl.u32 @!p0 v35, $0x7  }
0xb3: {  	v35 =	vshll.u32 @!p0 v35, $0x7  }
0xb4: {  	(v2sf) =	vpush @!p0 v35, $0x0;
	_ =	sdelay $0x3  }
0xb5: {  	(v2sf) =	vpush @!p0 v35, $0x1;
	_ =	sdelay $0x3  }
0xb6: {  	(v2sf) =	vpush @!p0 v35, $0x2;
	_ =	sdelay $0x3  }
0xb7: {  	(v2sf) =	vpush @!p0 v35, $0x3;
	_ =	sdelay $0x2  }
0xb8: {  	s26 =	spop @!p0 (v2sf)  }
0xb9: {  	s30 =	simm.s32 @!p0 $0x400;
	(v2sf) =	vpush @!p0 v35, $0x4;
	s26 =	sand.u32 @!p0 $0x1FFFFF80, s26  }
0xba: {  	s28 =	simm.s32 @!p0 $0x7A1400;
	s29 =	simm.s32 @!p0 $0x200;
	s26 =	sadd.s32 @!p0 s1, s26  }
0xbb: {  	[tilespmem:s29], [sflag:$0x1] =	stream.strided.gather @!p0 [hbm4b:s26+s30], $0x1000, s28, s30, $0x38;
	[tilespmem:$0x14200] =	vst v63  }
0xbc: {  	s26 =	spop @!p0 (v2sf)  }
0xbd: {  	(v2sf) =	vpush @!p0 v35, $0x5;
	s26 =	sand.u32 @!p0 $0x1FFFFF80, s26  }
0xbe: {  	s29 =	simm.s32 @!p0 $0x1200;
	s26 =	sadd.s32 @!p0 s1, s26  }
0xbf: {  	[tilespmem:s29], [sflag:$0x1] =	stream.strided.gather @!p0 [hbm4b:s26+s30], $0x1000, s28, s30, $0x38;
	[tilespmem:$0x14200] =	vst v63  }
0xc0: {  	s26 =	spop @!p0 (v2sf)  }
0xc1: {  	(v2sf) =	vpush @!p0 v35, $0x6;
	s26 =	sand.u32 @!p0 $0x1FFFFF80, s26  }
0xc2: {  	s29 =	simm.s32 @!p0 $0x2200;
	s26 =	sadd.s32 @!p0 s1, s26  }
0xc3: {  	[tilespmem:s29], [sflag:$0x1] =	stream.strided.gather @!p0 [hbm4b:s26+s30], $0x1000, s28, s30, $0x38;
	[tilespmem:$0x14200] =	vst v63  }
0xc4: {  	s26 =	spop @!p0 (v2sf)  }
0xc5: {  	(v2sf) =	vpush @!p0 v35, $0x7;
	s26 =	sand.u32 @!p0 $0x1FFFFF80, s26  }
0xc6: {  	s29 =	simm.s32 @!p0 $0x3200;
	s26 =	sadd.s32 @!p0 s1, s26  }
0xc7: {  	[tilespmem:s29], [sflag:$0x1] =	stream.strided.gather @!p0 [hbm4b:s26+s30], $0x1000, s28, s30, $0x38;
	[tilespmem:$0x14200] =	vst v63  }
0xc8: {  	s26 =	spop @!p0 (v2sf)  }
0xc9: {  	s26 =	sand.u32 @!p0 $0x1FFFFF80, s26  }
0xca: {  	s29 =	simm.s32 @!p0 $0x4200;
	s26 =	sadd.s32 @!p0 s1, s26  }
0xcb: {  	[tilespmem:s29], [sflag:$0x1] =	stream.strided.gather @!p0 [hbm4b:s26+s30], $0x1000, s28, s30, $0x38;
	[tilespmem:$0x14200] =	vst v63  }
0xcc: {  	s26 =	spop @!p0 (v2sf)  }
0xcd: {  	s26 =	sand.u32 @!p0 $0x1FFFFF80, s26  }
0xce: {  	s29 =	simm.s32 @!p0 $0x5200;
	s26 =	sadd.s32 @!p0 s1, s26  }
0xcf: {  	[tilespmem:s29], [sflag:$0x1] =	stream.strided.gather @!p0 [hbm4b:s26+s30], $0x1000, s28, s30, $0x38;
	[tilespmem:$0x14200] =	vst v63  }
0xd0: {  	s26 =	spop @!p0 (v2sf)  }
0xd1: {  	s26 =	sand.u32 @!p0 $0x1FFFFF80, s26  }
0xd2: {  	s29 =	simm.s32 @!p0 $0x6200;
	s26 =	sadd.s32 @!p0 s1, s26  }
0xd3: {  	[tilespmem:s29], [sflag:$0x1] =	stream.strided.gather @!p0 [hbm4b:s26+s30], $0x1000, s28, s30, $0x38;
	[tilespmem:$0x14200] =	vst v63  }
0xd4: {  	s26 =	spop @!p0 (v2sf)  }
0xd5: {  	s26 =	sand.u32 @!p0 $0x1FFFFF80, s26  }
0xd6: {  	s29 =	simm.s32 @!p0 $0x7200;
	s26 =	sadd.s32 @!p0 s1, s26  }
0xd7: {  	[tilespmem:s29], [sflag:$0x1] =	stream.strided.gather @!p0 [hbm4b:s26+s30], $0x1000, s28, s30, $0x38;
	[tilespmem:$0x14200] =	vst v63  }
0xd8: {  	_ =	swait.ge [sflag:s21], $0x1000  }
0xd9: {  	[sflag:s21] =	ssyncset.done $0x0  }
0xda: {  	[sflag:s21] =	ssyncadd.s32 $0xFFFFF000  }
0xdb: {  	_ =	swait.ge [sflag:s21], $0x1000  }
0xdc: {  	[sflag:s21] =	ssyncset.done $0x0  }
0xdd: {  	[sflag:s21] =	ssyncadd.s32 $0xFFFFF000  }
0xde: {  	_ =	swait.ge [sflag:s21], $0x1000  }
0xdf: {  	[sflag:s21] =	ssyncset.done $0x0  }
0xe0: {  	[sflag:s21] =	ssyncadd.s32 $0xFFFFF000  }
0xe1: {  	_ =	swait.ge [sflag:s21], $0x1000  }
0xe2: {  	[sflag:s21] =	ssyncset.done $0x0  }
0xe3: {  	[sflag:s21] =	ssyncadd.s32 $0xFFFFF000  }
0xe4: {  	_ =	swait.ge [sflag:s21], $0x1000  }
0xe5: {  	[sflag:s21] =	ssyncset.done $0x0  }
0xe6: {  	[sflag:s21] =	ssyncadd.s32 $0xFFFFF000  }
0xe7: {  	_ =	swait.ge [sflag:s21], $0x1000  }
0xe8: {  	[sflag:s21] =	ssyncset.done $0x0  }
0xe9: {  	v48 =	vbroadcast v34, $0x8;
	[sflag:s21] =	ssyncadd.s32 $0xFFFFF000  }
0xea: {  	_ =	swait.ge [sflag:s21], $0x1000  }
0xeb: {  	s12 =	simm.s32 $0x8;
	v49 =	vor.u32 v18, v48;
	[sflag:s21] =	ssyncset.done $0x0  }
0xec: {  	v50 =	vmov s12;
	v35 =	vor.u32 v19, v48;
	[sflag:s21] =	ssyncadd.s32 $0xFFFFF000  }
0xed: {  	v51 =	vshll.u32 v50, $0x3;
	_ =	swait.ge [sflag:s21], $0x1000  }
0xee: {  	v38 =	vand.u32 $0xC00, v51;
	v37 =	vand.u32 $0x78, v50;
	[sflag:s21] =	ssyncset.done $0x0  }
0xef: {  	v37 =	vor.u32 v37, v38;
	[sflag:s21] =	ssyncadd.s32 $0xFFFFF000  }
0xf0: {  	v52 =	vbroadcast v34, $0x9;
	v53 =	vor.u32 v2, v37;
	v36 =	vld.idx.msk [tilespmem:v49+s11+$0x0], $0xffff  }
0xf1: {  	v37 =	vor.u32 v3, v37;
	v35 =	vld.idx.msk [tilespmem:v35+s11+$0x0], $0xffff  }
0xf2: {  	s13 =	simm.s32 $0x9;
	v54 =	vor.u32 v20, v52  }
0xf3: {  	v55 =	vmov s13;
	v38 =	vor.u32 v21, v52  }
0xf4: {  	v56 =	vshll.u32 v55, $0x3  }
0xf5: {  	v57 =	vand.u32 $0x79, v55;
	v58 =	vand.u32 $0xC00, v56;
	[tilespmem:v53+s20+$0x0] =	vst.idx.msk $0xffff, v36  }
0xf6: {  	v59 =	vor.u32 v57, v58;
	[tilespmem:v37+s20+$0x0] =	vst.idx.msk $0xffff, v35  }
0xf7: {  	v60 =	vbroadcast v34, $0xA;
	v39 =	vor.u32 v2, v59;
	v37 =	vld.idx.msk [tilespmem:v54+s11+$0x0], $0xffff  }
0xf8: {  	v35 =	vor.u32 v3, v59;
	v38 =	vld.idx.msk [tilespmem:v38+s11+$0x0], $0xffff  }
0xf9: {  	s14 =	simm.s32 $0xA;
	v61 =	vor.u32 v22, v60  }
0xfa: {  	v62 =	vmov s14;
	v36 =	vor.u32 v23, v60  }
0xfb: {  	v63 =	vshll.u32 v62, $0x3  }
0xfc: {  	v43 =	vand.u32 $0x7A, v62;
	v44 =	vand.u32 $0xC00, v63;
	[tilespmem:v39+s20+$0x0] =	vst.idx.msk $0xffff, v37  }
0xfd: {  	v45 =	vor.u32 v43, v44;
	[tilespmem:v35+s20+$0x0] =	vst.idx.msk $0xffff, v38  }
0xfe: {  	v46 =	vbroadcast v34, $0xB;
	v39 =	vor.u32 v2, v45;
	v38 =	vld.idx.msk [tilespmem:v61+s11+$0x0], $0xffff  }
0xff: {  	v35 =	vor.u32 v3, v45;
	v36 =	vld.idx.msk [tilespmem:v36+s11+$0x0], $0xffff  }
0x100: {  	s15 =	simm.s32 $0xB;
	v47 =	vor.u32 v24, v46  }
0x101: {  	v48 =	vmov s15;
	v37 =	vor.u32 v25, v46  }
0x102: {  	v49 =	vshll.u32 v48, $0x3  }
0x103: {  	v50 =	vand.u32 $0x7B, v48;
	v51 =	vand.u32 $0xC00, v49;
	[tilespmem:v39+s20+$0x0] =	vst.idx.msk $0xffff, v38  }
0x104: {  	v52 =	vor.u32 v50, v51;
	[tilespmem:v35+s20+$0x0] =	vst.idx.msk $0xffff, v36  }
0x105: {  	v53 =	vbroadcast v34, $0xC;
	v39 =	vor.u32 v2, v52;
	v54 =	vld.idx.msk [tilespmem:v47+s11+$0x0], $0xffff  }
0x106: {  	v35 =	vor.u32 v3, v52;
	v37 =	vld.idx.msk [tilespmem:v37+s11+$0x0], $0xffff  }
0x107: {  	s28 =	simm.s32 $0xC;
	v55 =	vor.u32 v26, v53  }
0x108: {  	v56 =	vmov s28;
	v36 =	vor.u32 v27, v53  }
0x109: {  	v57 =	vshll.u32 v56, $0x3  }
0x10a: {  	v58 =	vand.u32 $0x7C, v56;
	v59 =	vand.u32 $0xC00, v57;
	[tilespmem:v39+s20+$0x0] =	vst.idx.msk $0xffff, v54  }
0x10b: {  	v60 =	vor.u32 v58, v59;
	[tilespmem:v35+s20+$0x0] =	vst.idx.msk $0xffff, v37  }
0x10c: {  	v61 =	vbroadcast v34, $0xD;
	v39 =	vor.u32 v2, v60;
	v62 =	vld.idx.msk [tilespmem:v55+s11+$0x0], $0xffff  }
0x10d: {  	v35 =	vor.u32 v3, v60;
	v36 =	vld.idx.msk [tilespmem:v36+s11+$0x0], $0xffff  }
0x10e: {  	s29 =	simm.s32 $0xD;
	v63 =	vor.u32 v28, v61  }
0x10f: {  	v45 =	vmov s29;
	v37 =	vor.u32 v29, v61  }
0x110: {  	v46 =	vshll.u32 v45, $0x3  }
0x111: {  	v48 =	vand.u32 $0xC00, v46;
	v47 =	vand.u32 $0x7D, v45;
	[tilespmem:v39+s20+$0x0] =	vst.idx.msk $0xffff, v62  }
0x112: {  	v49 =	vor.u32 v47, v48;
	[tilespmem:v35+s20+$0x0] =	vst.idx.msk $0xffff, v36  }
0x113: {  	v50 =	vbroadcast v34, $0xE;
	v39 =	vor.u32 v2, v49;
	v51 =	vld.idx.msk [tilespmem:v63+s11+$0x0], $0xffff  }
0x114: {  	v35 =	vor.u32 v3, v49;
	v37 =	vld.idx.msk [tilespmem:v37+s11+$0x0], $0xffff  }
0x115: {  	s30 =	simm.s32 $0xE;
	v52 =	vor.u32 v30, v50  }
0x116: {  	v53 =	vmov s30;
	v36 =	vor.u32 v31, v50  }
0x117: {  	v54 =	vshll.u32 v53, $0x3  }
0x118: {  	v56 =	vand.u32 $0xC00, v54;
	v55 =	vand.u32 $0x7E, v53;
	[tilespmem:v39+s20+$0x0] =	vst.idx.msk $0xffff, v51  }
0x119: {  	v57 =	vor.u32 v55, v56;
	[tilespmem:v35+s20+$0x0] =	vst.idx.msk $0xffff, v37  }
0x11a: {  	v34 =	vbroadcast v34, $0xF;
	v38 =	vor.u32 v2, v57;
	v37 =	vld.idx.msk [tilespmem:v52+s11+$0x0], $0xffff  }
0x11b: {  	v35 =	vor.u32 v3, v57;
	v36 =	vld.idx.msk [tilespmem:v36+s11+$0x0], $0xffff  }
0x11c: {  	s31 =	simm.s32 $0xF;
	v58 =	vor.u32 v32, v34  }
0x11d: {  	v59 =	vmov s31  }
0x11e: {  	v60 =	vshll.u32 v59, $0x3  }
0x11f: {  	v61 =	vand.u32 $0x7F, v59;
	v62 =	vand.u32 $0xC00, v60;
	[tilespmem:v38+s20+$0x0] =	vst.idx.msk $0xffff, v37  }
0x120: {  	v63 =	vor.u32 v61, v62;
	[tilespmem:v35+s20+$0x0] =	vst.idx.msk $0xffff, v36  }
0x121: {  	v34 =	vor.u32 v33, v34;
	v37 =	vor.u32 v2, v63;
	v36 =	vld.idx.msk [tilespmem:v58+s11+$0x0], $0xffff;
	_ =	sdelay $0x4  }
0x122: {  	s26 =	simm.s32 $0x1F;
	v35 =	vor.u32 v3, v63;
	v34 =	vld.idx.msk [tilespmem:v34+s11+$0x0], $0xffff;
	[tilespmem:v37+s20+$0x0] =	vst.idx.msk $0xffff, v36  }
.LBB2_2:
0x123: {  	_ =	sdelay $0x3  }
0x124: {  	s25 =	sadd.s32 $0x10, s25;
	[tilespmem:v35+s20+$0x0] =	vst.idx.msk $0xffff, v34  }
0x125: {  	v34 =	vld [tilespmem:s25+$0xFFFFFFF0];
	_ =	sdelay $0x4  }
0x126: {  	v62 =	vshrl.u32 v34, $0x7  }
0x127: {  	v50 =	vshll.u32 v62, $0x7  }
0x128: {  	(v2sf) =	vpush v50, $0x8  }
0x129: {  	(v2sf) =	vpush v50, $0x9  }
0x12a: {  	(v2sf) =	vpush v50, $0xA;
	_ =	sdelay $0x1  }
0x12b: {  	(v2sf) =	vpush v50, $0xB;
	_ =	sdelay $0x1  }
0x12c: {  	(v2sf) =	vpush v50, $0xC;
	_ =	sdelay $0x1  }
0x12d: {  	(v2sf) =	vpush v50, $0xD;
	_ =	sdelay $0x1  }
0x12e: {  	(v2sf) =	vpush v50, $0xE  }
0x12f: {  	s30 =	rddreg [dreg:$0x9]  }
0x130: {  	s31 =	rddreg [dreg:$0x8];
	(v2sf) =	vpush v50, $0xF  }
0x131: {  	s2 =	rddreg [dreg:$0x7]  }
0x132: {  	s0 =	rddreg [dreg:$0x6]  }
0x133: {  	s7 =	rddreg [dreg:$0x4];
	s3 =	spop (v2sf)  }
0x134: {  	s12 =	rddreg [dreg:$0x5];
	s3 =	sand.u32 $0x1FFFFF80, s3;
	s13 =	spop (v2sf)  }
0x135: {  	s3 =	sadd.s32 s1, s3;
	s13 =	sand.u32 $0x1FFFFF80, s13;
	s14 =	spop (v2sf)  }
0x136: {  	[tilespmem:s7], [sflag:$0x2] =	stream.strided.gather [hbm4b:s3+s8], $0x1000, s10, s8, $0x38;
	[tilespmem:$0x14200] =	vst v63  }
0x137: {  	s13 =	sadd.s32 s1, s13;
	s14 =	sand.u32 $0x1FFFFF80, s14;
	s15 =	spop (v2sf)  }
0x138: {  	[tilespmem:s12], [sflag:$0x2] =	stream.strided.gather [hbm4b:s13+s8], $0x1000, s10, s8, $0x38;
	[tilespmem:$0x14200] =	vst v63  }
0x139: {  	s12 =	sadd.s32 s1, s14;
	s14 =	sand.u32 $0x1FFFFF80, s15;
	s15 =	spop (v2sf)  }
0x13a: {  	[tilespmem:s0], [sflag:$0x2] =	stream.strided.gather [hbm4b:s12+s8], $0x1000, s10, s8, $0x38;
	[tilespmem:$0x14200] =	vst v63  }
0x13b: {  	s13 =	sadd.s32 s1, s14;
	s14 =	sand.u32 $0x1FFFFF80, s15;
	s15 =	spop (v2sf)  }
0x13c: {  	[tilespmem:s2], [sflag:$0x2] =	stream.strided.gather [hbm4b:s13+s8], $0x1000, s10, s8, $0x38;
	[tilespmem:$0x14200] =	vst v63  }
0x13d: {  	s3 =	sadd.s32 s1, s14;
	s12 =	sand.u32 $0x1FFFFF80, s15;
	s13 =	spop (v2sf)  }
0x13e: {  	[tilespmem:s31], [sflag:$0x2] =	stream.strided.gather [hbm4b:s3+s8], $0x1000, s10, s8, $0x38;
	[tilespmem:$0x14200] =	vst v63  }
0x13f: {  	s14 =	sadd.s32 s1, s12;
	s15 =	sand.u32 $0x1FFFFF80, s13;
	s31 =	spop (v2sf)  }
0x140: {  	[tilespmem:s30], [sflag:$0x2] =	stream.strided.gather [hbm4b:s14+s8], $0x1000, s10, s8, $0x38;
	[tilespmem:$0x14200] =	vst v63  }
0x141: {  	s29 =	rddreg [dreg:$0xa];
	s2 =	sadd.s32 s1, s15;
	s7 =	sand.u32 $0x1FFFFF80, s31  }
0x142: {  	[tilespmem:s29], [sflag:$0x2] =	stream.strided.gather [hbm4b:s2+s8], $0x1000, s10, s8, $0x38;
	[tilespmem:$0x14200] =	vst v63  }
0x143: {  	s12 =	rddreg [dreg:$0xb];
	s13 =	sadd.s32 s1, s7  }
0x144: {  	[tilespmem:s12], [sflag:$0x2] =	stream.strided.gather [hbm4b:s13+s8], $0x1000, s10, s8, $0x38;
	[tilespmem:$0x14200] =	vst v63  }
0x145: {  	_ =	swait.ge [sflag:s19], $0x1000  }
0x146: {  	[sflag:s19] =	ssyncset.done $0x0  }
0x147: {  	[sflag:s19] =	ssyncadd.s32 $0xFFFFF000  }
0x148: {  	_ =	swait.ge [sflag:s19], $0x1000  }
0x149: {  	[sflag:s19] =	ssyncset.done $0x0  }
0x14a: {  	[sflag:s19] =	ssyncadd.s32 $0xFFFFF000  }
0x14b: {  	_ =	swait.ge [sflag:s19], $0x1000  }
0x14c: {  	[sflag:s19] =	ssyncset.done $0x0  }
0x14d: {  	[sflag:s19] =	ssyncadd.s32 $0xFFFFF000  }
0x14e: {  	_ =	swait.ge [sflag:s19], $0x1000  }
0x14f: {  	[sflag:s19] =	ssyncset.done $0x0  }
0x150: {  	[sflag:s19] =	ssyncadd.s32 $0xFFFFF000  }
0x151: {  	_ =	swait.ge [sflag:s19], $0x1000  }
0x152: {  	[sflag:s19] =	ssyncset.done $0x0  }
0x153: {  	[sflag:s19] =	ssyncadd.s32 $0xFFFFF000  }
0x154: {  	_ =	swait.ge [sflag:s19], $0x1000  }
0x155: {  	v34 =	vand.u32 $0x7F, v34;
	[sflag:s19] =	ssyncset.done $0x0  }
0x156: {  	v49 =	vbroadcast v34, $0x0;
	[sflag:s19] =	ssyncadd.s32 $0xFFFFF000  }
0x157: {  	s28 =	smov.u32 s26;
	_ =	swait.ge [sflag:s19], $0x1000  }
0x158: {  	v63 =	vor.u32 v0, v49;
	s14 =	sadd.s32 $0xFFFFFFF1, s28;
	[sflag:s19] =	ssyncset.done $0x0  }
0x159: {  	v51 =	vmov s14;
	[sflag:s19] =	ssyncadd.s32 $0xFFFFF000  }
0x15a: {  	v49 =	vor.u32 v1, v49;
	v52 =	vshll.u32 v51, $0x3;
	_ =	swait.ge [sflag:s19], $0x1000  }
0x15b: {  	v51 =	vand.u32 $0x70, v51;
	v52 =	vand.u32 $0xC00, v52;
	[sflag:s19] =	ssyncset.done $0x0  }
0x15c: {  	v51 =	vor.u32 v51, v52;
	[sflag:s19] =	ssyncadd.s32 $0xFFFFF000  }
0x15d: {  	v52 =	vor.u32 v2, v51;
	v50 =	vld.idx.msk [tilespmem:v63+s11+$0x0], $0xffff  }
0x15e: {  	v48 =	vbroadcast v34, $0x1  }
0x15f: {  	v51 =	vor.u32 v3, v51;
	v49 =	vld.idx.msk [tilespmem:v49+s11+$0x0], $0xffff  }
0x160: {  	v53 =	vor.u32 v4, v48;
	s15 =	sadd.s32 $0xFFFFFFF2, s28  }
0x161: {  	v48 =	vor.u32 v5, v48;
	v54 =	vmov s15  }
0x162: {  	[tilespmem:v52+s20+$0x0] =	vst.idx.msk $0xffff, v50;
	v52 =	vshll.u32 v54, $0x3  }
0x163: {  	v55 =	vand.u32 $0x71, v54;
	v50 =	vand.u32 $0xC00, v52  }
0x164: {  	[tilespmem:v51+s20+$0x0] =	vst.idx.msk $0xffff, v49;
	v49 =	vor.u32 v55, v50  }
0x165: {  	v47 =	vbroadcast v34, $0x2;
	v51 =	vld.idx.msk [tilespmem:v53+s11+$0x0], $0xffff;
	v50 =	vor.u32 v2, v49  }
0x166: {  	v48 =	vld.idx.msk [tilespmem:v48+s11+$0x0], $0xffff;
	v49 =	vor.u32 v3, v49  }
0x167: {  	v56 =	vor.u32 v6, v47;
	s29 =	sadd.s32 $0xFFFFFFF3, s28  }
0x168: {  	v47 =	vor.u32 v7, v47;
	v57 =	vmov s29  }
0x169: {  	v58 =	vshll.u32 v57, $0x3  }
0x16a: {  	v59 =	vand.u32 $0x72, v57;
	v60 =	vand.u32 $0xC00, v58;
	[tilespmem:v50+s20+$0x0] =	vst.idx.msk $0xffff, v51  }
0x16b: {  	[tilespmem:v49+s20+$0x0] =	vst.idx.msk $0xffff, v48;
	v48 =	vor.u32 v59, v60  }
0x16c: {  	v46 =	vbroadcast v34, $0x3;
	v61 =	vld.idx.msk [tilespmem:v56+s11+$0x0], $0xffff;
	v49 =	vor.u32 v2, v48  }
0x16d: {  	v47 =	vld.idx.msk [tilespmem:v47+s11+$0x0], $0xffff;
	v48 =	vor.u32 v3, v48  }
0x16e: {  	v62 =	vor.u32 v8, v46;
	s30 =	sadd.s32 $0xFFFFFFF4, s28  }
0x16f: {  	v46 =	vor.u32 v9, v46;
	v63 =	vmov s30  }
0x170: {  	v54 =	vshll.u32 v63, $0x3  }
0x171: {  	v55 =	vand.u32 $0x73, v63;
	v56 =	vand.u32 $0xC00, v54;
	[tilespmem:v49+s20+$0x0] =	vst.idx.msk $0xffff, v61  }
0x172: {  	[tilespmem:v48+s20+$0x0] =	vst.idx.msk $0xffff, v47;
	v47 =	vor.u32 v55, v56  }
0x173: {  	v45 =	vbroadcast v34, $0x4;
	v57 =	vld.idx.msk [tilespmem:v62+s11+$0x0], $0xffff;
	v48 =	vor.u32 v2, v47  }
0x174: {  	v46 =	vld.idx.msk [tilespmem:v46+s11+$0x0], $0xffff;
	v47 =	vor.u32 v3, v47  }
0x175: {  	s31 =	sadd.s32 $0xFFFFFFF5, s28;
	v58 =	vor.u32 v10, v45  }
0x176: {  	v45 =	vor.u32 v11, v45;
	v59 =	vmov s31  }
0x177: {  	v60 =	vshll.u32 v59, $0x3  }
0x178: {  	v61 =	vand.u32 $0x74, v59;
	v62 =	vand.u32 $0xC00, v60;
	[tilespmem:v48+s20+$0x0] =	vst.idx.msk $0xffff, v57  }
0x179: {  	[tilespmem:v47+s20+$0x0] =	vst.idx.msk $0xffff, v46;
	v46 =	vor.u32 v61, v62  }
0x17a: {  	v44 =	vbroadcast v34, $0x5;
	v63 =	vld.idx.msk [tilespmem:v58+s11+$0x0], $0xffff;
	v47 =	vor.u32 v2, v46  }
0x17b: {  	v45 =	vld.idx.msk [tilespmem:v45+s11+$0x0], $0xffff;
	v46 =	vor.u32 v3, v46  }
0x17c: {  	s2 =	sadd.s32 $0xFFFFFFF6, s28;
	v52 =	vor.u32 v12, v44  }
0x17d: {  	v44 =	vor.u32 v13, v44;
	v53 =	vmov s2  }
0x17e: {  	v54 =	vshll.u32 v53, $0x3  }
0x17f: {  	v55 =	vand.u32 $0x75, v53;
	v56 =	vand.u32 $0xC00, v54;
	[tilespmem:v47+s20+$0x0] =	vst.idx.msk $0xffff, v63  }
0x180: {  	[tilespmem:v46+s20+$0x0] =	vst.idx.msk $0xffff, v45;
	v45 =	vor.u32 v55, v56  }
0x181: {  	v43 =	vbroadcast v34, $0x6;
	v57 =	vld.idx.msk [tilespmem:v52+s11+$0x0], $0xffff;
	v46 =	vor.u32 v2, v45  }
0x182: {  	v44 =	vld.idx.msk [tilespmem:v44+s11+$0x0], $0xffff;
	v45 =	vor.u32 v3, v45  }
0x183: {  	s3 =	sadd.s32 $0xFFFFFFF7, s28;
	v58 =	vor.u32 v14, v43  }
0x184: {  	v59 =	vmov s3;
	v43 =	vor.u32 v15, v43  }
0x185: {  	v60 =	vshll.u32 v59, $0x3  }
0x186: {  	v61 =	vand.u32 $0x76, v59;
	v62 =	vand.u32 $0xC00, v60;
	[tilespmem:v46+s20+$0x0] =	vst.idx.msk $0xffff, v57  }
0x187: {  	[tilespmem:v45+s20+$0x0] =	vst.idx.msk $0xffff, v44;
	v44 =	vor.u32 v61, v62  }
0x188: {  	v42 =	vbroadcast v34, $0x7;
	v63 =	vld.idx.msk [tilespmem:v58+s11+$0x0], $0xffff;
	v45 =	vor.u32 v2, v44  }
0x189: {  	v43 =	vld.idx.msk [tilespmem:v43+s11+$0x0], $0xffff;
	v44 =	vor.u32 v3, v44  }
0x18a: {  	s7 =	sadd.s32 $0xFFFFFFF8, s28;
	v52 =	vor.u32 v16, v42  }
0x18b: {  	v53 =	vmov s7;
	v42 =	vor.u32 v17, v42  }
0x18c: {  	v54 =	vshll.u32 v53, $0x3  }
0x18d: {  	v55 =	vand.u32 $0x77, v53;
	v56 =	vand.u32 $0xC00, v54;
	[tilespmem:v45+s20+$0x0] =	vst.idx.msk $0xffff, v63  }
0x18e: {  	[tilespmem:v44+s20+$0x0] =	vst.idx.msk $0xffff, v43;
	v43 =	vor.u32 v55, v56  }
0x18f: {  	v57 =	vld.idx.msk [tilespmem:v52+s11+$0x0], $0xffff;
	v44 =	vor.u32 v2, v43  }
0x190: {  	v42 =	vld.idx.msk [tilespmem:v42+s11+$0x0], $0xffff;
	v43 =	vor.u32 v3, v43;
	_ =	sdelay $0x3  }
0x191: {  	[tilespmem:v44+s20+$0x0] =	vst.idx.msk $0xffff, v57  }
0x192: {  	p1 =	seq.s32 s28, $0x1FF;
	[tilespmem:v43+s20+$0x0] =	vst.idx.msk $0xffff, v42  }
0x193: {  	v42 =	vld @!p1 [tilespmem:s25+$0x0];
	_ =	sdelay $0x4  }
0x194: {  	v42 =	vshrl.u32 @!p1 v42, $0x7  }
0x195: {  	v42 =	vshll.u32 @!p1 v42, $0x7  }
0x196: {  	(v2sf) =	vpush @!p1 v42, $0x0  }
0x197: {  	(v2sf) =	vpush @!p1 v42, $0x1  }
0x198: {  	(v2sf) =	vpush @!p1 v42, $0x2;
	_ =	sdelay $0x1  }
0x199: {  	(v2sf) =	vpush @!p1 v42, $0x3;
	_ =	sdelay $0x1  }
0x19a: {  	(v2sf) =	vpush @!p1 v42, $0x4;
	_ =	sdelay $0x1  }
0x19b: {  	(v2sf) =	vpush @!p1 v42, $0x5;
	_ =	sdelay $0x1  }
0x19c: {  	(v2sf) =	vpush @!p1 v42, $0x6;
	_ =	sdelay $0x1  }
0x19d: {  	(v2sf) =	vpush @!p1 v42, $0x7  }
0x19e: {  	s0 =	simm.s32 @!p1 $0x4200;
	s14 =	simm.s32 @!p1 $0x200  }
0x19f: {  	s12 =	simm.s32 @!p1 $0x3200;
	s13 =	simm.s32 @!p1 $0x7A1400;
	s30 =	simm.s32 @!p1 $0x400  }
0x1a0: {  	s2 =	simm.s32 @!p1 $0x5200;
	s3 =	simm.s32 @!p1 $0x1200;
	s29 =	spop @!p1 (v2sf)  }
0x1a1: {  	s7 =	simm.s32 @!p1 $0x2200;
	s29 =	sand.u32 @!p1 $0x1FFFFF80, s29;
	s31 =	spop @!p1 (v2sf)  }
0x1a2: {  	s29 =	sadd.s32 @!p1 s1, s29;
	s31 =	sand.u32 @!p1 $0x1FFFFF80, s31;
	s15 =	spop @!p1 (v2sf)  }
0x1a3: {  	[tilespmem:s14], [sflag:$0x1] =	stream.strided.gather @!p1 [hbm4b:s29+s30], $0x1000, s13, s30, $0x38;
	[tilespmem:$0x14200] =	vst v63  }
0x1a4: {  	s14 =	sadd.s32 @!p1 s1, s31;
	s15 =	sand.u32 @!p1 $0x1FFFFF80, s15;
	s29 =	spop @!p1 (v2sf)  }
0x1a5: {  	[tilespmem:s3], [sflag:$0x1] =	stream.strided.gather @!p1 [hbm4b:s14+s30], $0x1000, s13, s30, $0x38;
	[tilespmem:$0x14200] =	vst v63  }
0x1a6: {  	s3 =	sadd.s32 @!p1 s1, s15;
	s14 =	sand.u32 @!p1 $0x1FFFFF80, s29;
	s15 =	spop @!p1 (v2sf)  }
0x1a7: {  	[tilespmem:s7], [sflag:$0x1] =	stream.strided.gather @!p1 [hbm4b:s3+s30], $0x1000, s13, s30, $0x38;
	[tilespmem:$0x14200] =	vst v63  }
0x1a8: {  	s3 =	sadd.s32 @!p1 s1, s14;
	s7 =	sand.u32 @!p1 $0x1FFFFF80, s15;
	s14 =	spop @!p1 (v2sf)  }
0x1a9: {  	[tilespmem:s12], [sflag:$0x1] =	stream.strided.gather @!p1 [hbm4b:s3+s30], $0x1000, s13, s30, $0x38;
	[tilespmem:$0x14200] =	vst v63  }
0x1aa: {  	s3 =	sadd.s32 @!p1 s1, s7;
	s7 =	sand.u32 @!p1 $0x1FFFFF80, s14;
	s12 =	spop @!p1 (v2sf)  }
0x1ab: {  	[tilespmem:s0], [sflag:$0x1] =	stream.strided.gather @!p1 [hbm4b:s3+s30], $0x1000, s13, s30, $0x38;
	[tilespmem:$0x14200] =	vst v63  }
0x1ac: {  	s0 =	sadd.s32 @!p1 s1, s7;
	s3 =	sand.u32 @!p1 $0x1FFFFF80, s12;
	s7 =	spop @!p1 (v2sf)  }
0x1ad: {  	[tilespmem:s2], [sflag:$0x1] =	stream.strided.gather @!p1 [hbm4b:s0+s30], $0x1000, s13, s30, $0x38;
	[tilespmem:$0x14200] =	vst v63  }
0x1ae: {  	s0 =	sadd.s32 @!p1 s1, s3;
	s2 =	simm.s32 @!p1 $0x6200;
	s3 =	sand.u32 @!p1 $0x1FFFFF80, s7  }
0x1af: {  	[tilespmem:s2], [sflag:$0x1] =	stream.strided.gather @!p1 [hbm4b:s0+s30], $0x1000, s13, s30, $0x38;
	[tilespmem:$0x14200] =	vst v63  }
0x1b0: {  	s0 =	sadd.s32 @!p1 s1, s3;
	s2 =	simm.s32 @!p1 $0x7200  }
0x1b1: {  	[tilespmem:s2], [sflag:$0x1] =	stream.strided.gather @!p1 [hbm4b:s0+s30], $0x1000, s13, s30, $0x38;
	[tilespmem:$0x14200] =	vst v63  }
0x1b2: {  	_ =	swait.ge [sflag:s21], $0x1000  }
0x1b3: {  	[sflag:s21] =	ssyncset.done $0x0  }
0x1b4: {  	[sflag:s21] =	ssyncadd.s32 $0xFFFFF000  }
0x1b5: {  	_ =	swait.ge [sflag:s21], $0x1000  }
0x1b6: {  	[sflag:s21] =	ssyncset.done $0x0  }
0x1b7: {  	[sflag:s21] =	ssyncadd.s32 $0xFFFFF000  }
0x1b8: {  	_ =	swait.ge [sflag:s21], $0x1000  }
0x1b9: {  	[sflag:s21] =	ssyncset.done $0x0  }
0x1ba: {  	[sflag:s21] =	ssyncadd.s32 $0xFFFFF000  }
0x1bb: {  	_ =	swait.ge [sflag:s21], $0x1000  }
0x1bc: {  	[sflag:s21] =	ssyncset.done $0x0  }
0x1bd: {  	[sflag:s21] =	ssyncadd.s32 $0xFFFFF000  }
0x1be: {  	_ =	swait.ge [sflag:s21], $0x1000  }
0x1bf: {  	[sflag:s21] =	ssyncset.done $0x0  }
0x1c0: {  	[sflag:s21] =	ssyncadd.s32 $0xFFFFF000  }
0x1c1: {  	_ =	swait.ge [sflag:s21], $0x1000  }
0x1c2: {  	[sflag:s21] =	ssyncset.done $0x0  }
0x1c3: {  	v41 =	vbroadcast v34, $0x8;
	[sflag:s21] =	ssyncadd.s32 $0xFFFFF000  }
0x1c4: {  	_ =	swait.ge [sflag:s21], $0x1000  }
0x1c5: {  	v58 =	vor.u32 v18, v41;
	s12 =	sadd.s32 $0xFFFFFFF9, s28;
	[sflag:s21] =	ssyncset.done $0x0  }
0x1c6: {  	v41 =	vor.u32 v19, v41;
	v59 =	vmov s12;
	[sflag:s21] =	ssyncadd.s32 $0xFFFFF000  }
0x1c7: {  	v60 =	vshll.u32 v59, $0x3;
	_ =	swait.ge [sflag:s21], $0x1000  }
0x1c8: {  	v43 =	vand.u32 $0x78, v59;
	v44 =	vand.u32 $0xC00, v60;
	[sflag:s21] =	ssyncset.done $0x0  }
0x1c9: {  	v43 =	vor.u32 v43, v44;
	[sflag:s21] =	ssyncadd.s32 $0xFFFFF000  }
0x1ca: {  	v40 =	vbroadcast v34, $0x9;
	v44 =	vor.u32 v2, v43;
	v42 =	vld.idx.msk [tilespmem:v58+s11+$0x0], $0xffff  }
0x1cb: {  	v43 =	vor.u32 v3, v43;
	v41 =	vld.idx.msk [tilespmem:v41+s11+$0x0], $0xffff  }
0x1cc: {  	v61 =	vor.u32 v20, v40;
	s13 =	sadd.s32 $0xFFFFFFFA, s28  }
0x1cd: {  	v40 =	vor.u32 v21, v40;
	v62 =	vmov s13  }
0x1ce: {  	v63 =	vshll.u32 v62, $0x3  }
0x1cf: {  	v47 =	vand.u32 $0x79, v62;
	[tilespmem:v44+s20+$0x0] =	vst.idx.msk $0xffff, v42;
	v42 =	vand.u32 $0xC00, v63  }
0x1d0: {  	[tilespmem:v43+s20+$0x0] =	vst.idx.msk $0xffff, v41;
	v41 =	vor.u32 v47, v42  }
0x1d1: {  	v39 =	vbroadcast v34, $0xA;
	v43 =	vld.idx.msk [tilespmem:v61+s11+$0x0], $0xffff;
	v42 =	vor.u32 v2, v41  }
0x1d2: {  	v40 =	vld.idx.msk [tilespmem:v40+s11+$0x0], $0xffff;
	v41 =	vor.u32 v3, v41  }
0x1d3: {  	v48 =	vor.u32 v22, v39;
	s14 =	sadd.s32 $0xFFFFFFFB, s28  }
0x1d4: {  	v39 =	vor.u32 v23, v39;
	v49 =	vmov s14  }
0x1d5: {  	v50 =	vshll.u32 v49, $0x3  }
0x1d6: {  	v51 =	vand.u32 $0x7A, v49;
	v52 =	vand.u32 $0xC00, v50;
	[tilespmem:v42+s20+$0x0] =	vst.idx.msk $0xffff, v43  }
0x1d7: {  	[tilespmem:v41+s20+$0x0] =	vst.idx.msk $0xffff, v40;
	v40 =	vor.u32 v51, v52  }
0x1d8: {  	v38 =	vbroadcast v34, $0xB;
	v53 =	vld.idx.msk [tilespmem:v48+s11+$0x0], $0xffff;
	v41 =	vor.u32 v2, v40  }
0x1d9: {  	v39 =	vld.idx.msk [tilespmem:v39+s11+$0x0], $0xffff;
	v40 =	vor.u32 v3, v40  }
0x1da: {  	v54 =	vor.u32 v24, v38;
	s15 =	sadd.s32 $0xFFFFFFFC, s28  }
0x1db: {  	v38 =	vor.u32 v25, v38;
	v55 =	vmov s15  }
0x1dc: {  	v56 =	vshll.u32 v55, $0x3  }
0x1dd: {  	v57 =	vand.u32 $0x7B, v55;
	v58 =	vand.u32 $0xC00, v56;
	[tilespmem:v41+s20+$0x0] =	vst.idx.msk $0xffff, v53  }
0x1de: {  	[tilespmem:v40+s20+$0x0] =	vst.idx.msk $0xffff, v39;
	v39 =	vor.u32 v57, v58  }
0x1df: {  	v37 =	vbroadcast v34, $0xC;
	v59 =	vld.idx.msk [tilespmem:v54+s11+$0x0], $0xffff;
	v40 =	vor.u32 v2, v39  }
0x1e0: {  	v38 =	vld.idx.msk [tilespmem:v38+s11+$0x0], $0xffff;
	v39 =	vor.u32 v3, v39  }
0x1e1: {  	s29 =	sadd.s32 $0xFFFFFFFD, s28;
	v60 =	vor.u32 v26, v37  }
0x1e2: {  	v37 =	vor.u32 v27, v37;
	v61 =	vmov s29  }
0x1e3: {  	v62 =	vshll.u32 v61, $0x3  }
0x1e4: {  	v63 =	vand.u32 $0x7C, v61;
	v44 =	vand.u32 $0xC00, v62;
	[tilespmem:v40+s20+$0x0] =	vst.idx.msk $0xffff, v59  }
0x1e5: {  	[tilespmem:v39+s20+$0x0] =	vst.idx.msk $0xffff, v38;
	v38 =	vor.u32 v63, v44  }
0x1e6: {  	v36 =	vbroadcast v34, $0xD;
	v45 =	vld.idx.msk [tilespmem:v60+s11+$0x0], $0xffff;
	v39 =	vor.u32 v2, v38  }
0x1e7: {  	v37 =	vld.idx.msk [tilespmem:v37+s11+$0x0], $0xffff;
	v38 =	vor.u32 v3, v38  }
0x1e8: {  	v46 =	vor.u32 v28, v36;
	s30 =	sadd.s32 $0xFFFFFFFE, s28  }
0x1e9: {  	v36 =	vor.u32 v29, v36;
	v47 =	vmov s30  }
0x1ea: {  	v48 =	vshll.u32 v47, $0x3  }
0x1eb: {  	v49 =	vand.u32 $0x7D, v47;
	v50 =	vand.u32 $0xC00, v48;
	[tilespmem:v39+s20+$0x0] =	vst.idx.msk $0xffff, v45  }
0x1ec: {  	[tilespmem:v38+s20+$0x0] =	vst.idx.msk $0xffff, v37;
	v37 =	vor.u32 v49, v50  }
0x1ed: {  	v35 =	vbroadcast v34, $0xE;
	v51 =	vld.idx.msk [tilespmem:v46+s11+$0x0], $0xffff;
	v38 =	vor.u32 v2, v37  }
0x1ee: {  	v36 =	vld.idx.msk [tilespmem:v36+s11+$0x0], $0xffff;
	v37 =	vor.u32 v3, v37  }
0x1ef: {  	s31 =	sadd.s32 $0xFFFFFFFF, s28;
	v52 =	vor.u32 v30, v35  }
0x1f0: {  	v35 =	vor.u32 v31, v35;
	v53 =	vmov s31  }
0x1f1: {  	v54 =	vshll.u32 v53, $0x3  }
0x1f2: {  	v55 =	vand.u32 $0x7E, v53;
	v56 =	vand.u32 $0xC00, v54;
	[tilespmem:v38+s20+$0x0] =	vst.idx.msk $0xffff, v51  }
0x1f3: {  	[tilespmem:v37+s20+$0x0] =	vst.idx.msk $0xffff, v36;
	v36 =	vor.u32 v55, v56  }
0x1f4: {  	v34 =	vbroadcast v34, $0xF;
	v57 =	vld.idx.msk [tilespmem:v52+s11+$0x0], $0xffff;
	v37 =	vor.u32 v2, v36  }
0x1f5: {  	v35 =	vld.idx.msk [tilespmem:v35+s11+$0x0], $0xffff;
	v36 =	vor.u32 v3, v36  }
0x1f6: {  	v58 =	vor.u32 v32, v34  }
0x1f7: {  	v59 =	vmov s28  }
0x1f8: {  	v60 =	vshll.u32 v59, $0x3  }
0x1f9: {  	v61 =	vand.u32 $0x7F, v59;
	v62 =	vand.u32 $0xC00, v60;
	[tilespmem:v37+s20+$0x0] =	vst.idx.msk $0xffff, v57  }
0x1fa: {  	s26 =	sadd.s32 $0x10, s26;
	[tilespmem:v36+s20+$0x0] =	vst.idx.msk $0xffff, v35;
	v35 =	vor.u32 v61, v62  }
0x1fb: {  	p0 =	sne.s32 s26, $0x20F;
	v34 =	vor.u32 v33, v34;
	v63 =	vld.idx.msk [tilespmem:v58+s11+$0x0], $0xffff;
	v36 =	vor.u32 v2, v35  }
.Ltmp0:
0x1fc: {  	_ = 	snop;
	(pc) =	sbr.rel @p0 .LBB2_2-.Ltmp0, $2  }
0x1fd: {  	_ =	sdelay $0x2  }
0x1fe: {  	v34 =	vld.idx.msk [tilespmem:v34+s11+$0x0], $0xffff;
	v35 =	vor.u32 v3, v35;
	[tilespmem:v36+s20+$0x0] =	vst.idx.msk $0xffff, v63  }
0x1ff: {  	_ =	sdelay $0x1  }
0x200: {  	s24 =	sadd.s32 $0x1, s24  }
0x201: {  	p0 =	sne.s32 s24, s6  }
.Ltmp1:
0x202: {  	[tilespmem:v35+s20+$0x0] =	vst.idx.msk $0xffff, v34;
	(pc) =	sbr.rel @p0 .LBB2_1-.Ltmp1, $4  }
0x203: {  	[hbm4b:s5+s22] =	stream.strided.scatter [tilespmem:s20], [sflag:$0x3], $0x4000, s23, s22, $0x38;
	[tilespmem:$0x14200] =	vst v63  }
0x204: {  	_ =	swait.ge [sflag:s9], $0x4000  }
0x205: {  	[sflag:s9] =	ssyncset.done $0x0  }
0x206: {  	[sflag:s9] =	ssyncadd.s32 $0xFFFFC000  }
0x207: {  	_ =	sfence.sel $0x180000  }
0x208: {  	[bflag:$0x0] =	sbarrier.arrive $0xFFFF  }
0x209: {  	_ =	strace $0x90000047  }
0x20a: {  	s0 =	stileid.u32;
	[bflag:$0x2] =	sbarrier.arrive $0xFFFF  }
0x20b: {  	p0 =	sne.s32 s0, $0x0;
	s0 =	rddreg [dreg:$0x3]  }
0x20c: {  	s0 =	sadd.s32 @!p0 $0x100000, s0  }
0x20d: {  	[sflag:s0] =	ssyncadd.tile.s32 @!p0 $0x1;
	_ =	shalt  }
.Lfunc_end2:
_tile_overlayer_lowered:
.L_overlay_start_2:
0x20e: {  	(tag) =	ssettag $0x2  }
0x20f: {  	s0 =	rddreg [dreg:$0x0];
	s2 =	stileid.u32  }
0x210: {  	s1 =	rddreg [dreg:$0x1];
	p0 =	sne.s32 s2, $0x0  }
0x211: {  	s3 =	rddreg [dreg:$0x2];
	[bflag:$0x3] =	sbarrier.arrive $0xFFFF;
	s2 =	simm.s32 @!p0 $0x1C03  }
0x212: {  	[timem:s3], [sflag:s2] =	dma.local @!p0 [hbm:s0], s1  }
0x213: {  	s0 =	simm.s32 @!p0 $0x3  }
0x214: {  	_ =	swait.ge @!p0 [sflag:s0], s1  }
0x215: {  	s1 =	ssub.s32 @!p0 $0x0, s1;
	[sflag:s0] =	ssyncset.done @!p0 $0x0  }
0x216: {  	[sflag:s0] =	ssyncadd.s32 @!p0 s1  }
0x217: {  	[bflag:$0x3] =	sbarrier.arrive $0xFFFF  }
0x218: {  	_ =	shalt  }

</sc_bundles>
